<compile_context>
chip_gen: v7x
topology: tpu7x:2x2x1
jax: 0.10.2.dev20260603
libtpu: 0.0.44.dev20260713+nightly
codegen_flags: <defaults>
</compile_context>

<pallas_src>
import jax
import jax.numpy as jnp
from jax import lax
from jax.experimental import pallas as pl
from jax.experimental.pallas import tpu as pltpu
from jax.experimental.pallas import tpu_sc as plsc

_NC = 2
_NS = 16
_NW = _NC * _NS
_LANE = 16


def _tc_user_gather(user_id, user_table, B, ED):
    def body(uid_smem, utab_hbm, out_vmem, sem):
        def gstart(g, _):
            for k in range(8):
                r = g * 8 + k
                pltpu.make_async_copy(
                    utab_hbm.at[uid_smem[r]], out_vmem.at[r], sem).start()
            return 0
        lax.fori_loop(0, B // 8, gstart, 0, unroll=4)
        pltpu.make_async_copy(
            utab_hbm.at[pl.ds(0, B)], out_vmem, sem).wait()

    return pl.pallas_call(
        body,
        grid_spec=pltpu.PrefetchScalarGridSpec(
            num_scalar_prefetch=1,
            grid=(1,),
            in_specs=[pl.BlockSpec(memory_space=pl.ANY)],
            out_specs=pl.BlockSpec((B, ED), lambda i, uid: (0, 0)),
            scratch_shapes=[pltpu.SemaphoreType.DMA],
        ),
        out_shape=jax.ShapeDtypeStruct((B, ED), jnp.float32),
    )(user_id, user_table)


def _sc_gather_pool(hs_t, seq_table, B, L, SD):
    BPW = B // _NW
    mesh = plsc.VectorSubcoreMesh(core_axis_name="c", subcore_axis_name="s")

    def body(hst_hbm, stab_hbm,
             ssum_out, cnt_out,
             idx_v, rows_v, acc_v, cnt_v,
             sem0, sem1):
        wid = lax.axis_index("s") * _NC + lax.axis_index("c")
        base = wid * BPW

        pltpu.sync_copy(hst_hbm.at[wid], idx_v)

        zero = jnp.zeros((_LANE,), jnp.float32)

        def zbody(r, _):
            for q in range(SD // _LANE):
                acc_v[r, pl.ds(_LANE * q, _LANE)] = zero
            return 0
        lax.fori_loop(0, BPW, zbody, 0)
        for q in range(BPW // _LANE):
            cnt_v[pl.ds(_LANE * q, _LANE)] = zero

        sems = (sem0, sem1)

        def start(l, b):
            pltpu.async_copy(stab_hbm.at[idx_v.at[l]], rows_v.at[b], sems[b])

        def wait(l, b):
            pltpu.make_async_copy(
                stab_hbm.at[idx_v.at[l]], rows_v.at[b], sems[b]).wait()

        def accum(l, b):
            def abody(r, _):
                for q in range(SD // _LANE):
                    sl = pl.ds(_LANE * q, _LANE)
                    plsc.addupdate(acc_v.at[r, sl], rows_v[b, r, sl])
                return 0
            lax.fori_loop(0, BPW, abody, 0, unroll=4)
            for q in range(BPW // _LANE):
                sl = pl.ds(_LANE * q, _LANE)
                iv = idx_v[l, sl]
                plsc.addupdate(cnt_v.at[sl],
                               jnp.where(iv > 0, 1.0, 0.0).astype(jnp.float32))

        start(0, 0)

        def chunk_body(g, _):
            l0 = 2 * g
            start(l0 + 1, 1)
            wait(l0, 0)
            accum(l0, 0)

            @pl.when(l0 + 2 < L)
            def _():
                start(l0 + 2, 0)

            wait(l0 + 1, 1)
            accum(l0 + 1, 1)
            return 0
        lax.fori_loop(0, L // 2, chunk_body, 0)

        pltpu.sync_copy(acc_v, ssum_out.at[pl.ds(base, BPW)])
        pltpu.sync_copy(cnt_v, cnt_out.at[pl.ds(base, BPW)])

    fn = pl.kernel(
        body,
        out_type=[
            jax.ShapeDtypeStruct((B, SD), jnp.float32),
            jax.ShapeDtypeStruct((B,), jnp.float32),
        ],
        mesh=mesh,
        scratch_types=[
            pltpu.VMEM((L, BPW), jnp.int32),
            pltpu.VMEM((2, BPW, SD), jnp.float32),
            pltpu.VMEM((BPW, SD), jnp.float32),
            pltpu.VMEM((BPW,), jnp.float32),
            pltpu.SemaphoreType.DMA,
            pltpu.SemaphoreType.DMA,
        ],
        compiler_params=pltpu.CompilerParams(use_tc_tiling_on_sc=False),
    )
    return fn(hs_t, seq_table)


def _mlp_body(uemb, ssum, cnt, ud, Wd, bd, W1, b1, W2, b2, W3, b3, out):
    f32 = jnp.float32
    x1 = uemb[...]
    x2 = ssum[...] / (cnt[...] + 1e-9)
    d = jnp.maximum(
        jnp.dot(ud[...], Wd[...], preferred_element_type=f32) + bd[...], 0.0)
    W1v = W1[...]
    ed = x1.shape[1]
    sd = x2.shape[1]
    h = (jnp.dot(x1, W1v[0:ed], preferred_element_type=f32)
         + jnp.dot(x2, W1v[ed:ed + sd], preferred_element_type=f32)
         + jnp.dot(d, W1v[ed + sd:], preferred_element_type=f32)
         + b1[...])
    h = jnp.maximum(h, 0.0)
    h = jnp.maximum(
        jnp.dot(h, W2[...], preferred_element_type=f32) + b2[...], 0.0)
    o = jnp.dot(h, W3[...], preferred_element_type=f32) + b3[...]
    n = jnp.sqrt(jnp.sum(o * o, axis=1, keepdims=True))
    out[...] = o / jnp.maximum(n, 1e-12)


def kernel(user_id, user_dense, history_seq, history_len,
           user_table, seq_table, Wd, bd, W1, b1, W2, b2, W3, b3):
    del history_len
    B, L = history_seq.shape
    ED = user_table.shape[1]
    SD = seq_table.shape[1]
    DD = user_dense.shape[1]
    DH = Wd.shape[1]
    H1 = W1.shape[1]
    H2 = W2.shape[1]
    OD = W3.shape[1]
    BPW = B // _NW

    hs_t = jnp.transpose(
        history_seq.astype(jnp.int32).reshape(_NW, BPW, L), (0, 2, 1))

    u_emb = _tc_user_gather(user_id.astype(jnp.int32), user_table, B, ED)
    seq_sum, cnt = _sc_gather_pool(hs_t, seq_table, B, L, SD)

    BM = 512
    grid = (B // BM,)
    row = lambda i: (i, 0)
    rep = lambda i: (0, 0)
    out = pl.pallas_call(
        _mlp_body,
        grid=grid,
        in_specs=[
            pl.BlockSpec((BM, ED), row),
            pl.BlockSpec((BM, SD), row),
            pl.BlockSpec((BM, 1), row),
            pl.BlockSpec((BM, DD), row),
            pl.BlockSpec((DD, DH), rep),
            pl.BlockSpec((1, DH), rep),
            pl.BlockSpec((ED + SD + DH, H1), rep),
            pl.BlockSpec((1, H1), rep),
            pl.BlockSpec((H1, H2), rep),
            pl.BlockSpec((1, H2), rep),
            pl.BlockSpec((H2, OD), rep),
            pl.BlockSpec((1, OD), rep),
        ],
        out_specs=pl.BlockSpec((BM, OD), row),
        out_shape=jax.ShapeDtypeStruct((B, OD), jnp.float32),
    )(u_emb, seq_sum, cnt.reshape(B, 1), user_dense,
      Wd, bd.reshape(1, DH), W1, b1.reshape(1, H1),
      W2, b2.reshape(1, H2), W3, b3.reshape(1, OD))
    return out

# --- scband reference (transcript-rebuilt; emitter-appended) ---
"""Pipeline reference for scband-user-tower-3461743641132 (READ-ONLY COPY).

The authoritative reference and input builder live on the scoring server;
editing this copy changes nothing except your own understanding.
"""

import jax, jax.numpy as jnp
import numpy as np

N_USERS = 1000000
N_ITEMS = 1000000
B = 4096
L = 200
ED = 64   # embed_dim
SD = 64   # seq_embed_dim
DD = 25   # user_dense_dim
DH = 64   # dense_hidden
OD = 64   # output_dim


def setup_inputs(seed: int = 0) -> dict:
    key = jax.random.key(seed)
    ks = jax.random.split(key, 16)
    user_id = jax.random.randint(ks[0], (B,), 0, N_USERS, dtype=jnp.int64 if jax.config.jax_enable_x64 else jnp.int32)
    user_dense = jax.random.normal(ks[1], (B, DD), dtype=jnp.float32)
    history_seq = jax.random.randint(ks[2], (B, L), 0, N_ITEMS + 1)
    history_len = jax.random.randint(ks[3], (B,), 0, L)
    user_table = 0.01 * jax.random.normal(ks[4], (N_USERS, ED), dtype=jnp.float32)
    seq_table = 0.01 * jax.random.normal(ks[5], (N_ITEMS + 1, SD), dtype=jnp.float32)
    seq_table = seq_table.at[0].set(0.0)  # padding_idx=0
    Wd = 0.1 * jax.random.normal(ks[6], (DD, DH), dtype=jnp.float32)
    bd = jnp.zeros((DH,), dtype=jnp.float32)
    in_dim = ED + SD + DH  # 192
    W1 = 0.05 * jax.random.normal(ks[7], (in_dim, 256), dtype=jnp.float32)
    b1 = jnp.zeros((256,), dtype=jnp.float32)
    W2 = 0.05 * jax.random.normal(ks[8], (256, 128), dtype=jnp.float32)
    b2 = jnp.zeros((128,), dtype=jnp.float32)
    W3 = 0.05 * jax.random.normal(ks[9], (128, OD), dtype=jnp.float32)
    b3 = jnp.zeros((OD,), dtype=jnp.float32)
    return {
        'user_id': user_id, 'user_dense': user_dense,
        'history_seq': history_seq, 'history_len': history_len,
        'user_table': user_table, 'seq_table': seq_table,
        'Wd': Wd, 'bd': bd, 'W1': W1, 'b1': b1,
        'W2': W2, 'b2': b2, 'W3': W3, 'b3': b3,
    }


def reference(user_id, user_dense, history_seq, history_len,
              user_table, seq_table, Wd, bd, W1, b1, W2, b2, W3, b3):
    # embedding lookups (SparseCore gathers)
    u_emb = jnp.take(user_table, user_id, axis=0)           # (B, ED)
    seq_emb = jnp.take(seq_table, history_seq, axis=0)      # (B, L, SD)
    mask = (history_seq > 0).astype(jnp.float32)[:, :, None]
    seq_pooled = (seq_emb * mask).sum(axis=1) / (mask.sum(axis=1) + 1e-09)
    d_feat = jax.nn.relu(user_dense @ Wd + bd)
    x = jnp.concatenate([u_emb, seq_pooled, d_feat], axis=-1)
    # MLP [192, 256, 128, 64]; dropout inactive at inference
    h = jax.nn.relu(x @ W1 + b1)
    h = jax.nn.relu(h @ W2 + b2)
    out = h @ W3 + b3
    norm = jnp.linalg.norm(out, ord=2, axis=-1, keepdims=True)
    return out / jnp.maximum(norm, 1e-12)

if __name__ == "__main__":
    import jax
    _d = setup_inputs()
    print(jax.jit(kernel)(*tuple(_d.values())))

</pallas_src>

<mosaic_0001>
#map = affine_map<(d0, d1) -> (0, 0, 0)>
#map1 = affine_map<(d0, d1) -> (0, 0)>
#map2 = affine_map<(d0, d1) -> (0)>
module attributes {stable_mosaic.version = 14 : i64} {
  func.func @body(%arg0: i32, %arg1: i32, %arg2: memref<32x200x128xi32, #tpu.memory_space<hbm>>, %arg3: memref<1000001x64xf32, #tpu.memory_space<hbm>>, %arg4: memref<4096x64xf32, #tpu.memory_space<hbm>>, %arg5: memref<4096xf32, #tpu.memory_space<hbm>>, %arg6: memref<200x128xi32, #tpu.memory_space<vmem>>, %arg7: memref<2x128x64xf32, #tpu.memory_space<vmem>>, %arg8: memref<128x64xf32, #tpu.memory_space<vmem>>, %arg9: memref<128xf32, #tpu.memory_space<vmem>>, %arg10: memref<!tpu.dma_semaphore, #tpu.memory_space<semaphore_mem>>, %arg11: memref<!tpu.dma_semaphore, #tpu.memory_space<semaphore_mem>>) attributes {dimension_semantics = [#tpu.dimension_semantics<core_parallel>, #tpu.dimension_semantics<subcore_parallel>], iteration_bounds = array<i64: 2, 16>, scalar_prefetch = 0 : i64, scratch_operands = 6 : i64, tpu.core_type = #tpu.core_type<sc_vector_subcore>, window_params = [{transform_indices = #map}, {transform_indices = #map1}, {transform_indices = #map1}, {transform_indices = #map2}]} {
    %mul3A = arith.constant 2 : i32
    %mul3A_0 = arith.muli %arg1, %mul3A : i32
    %add3A = arith.addi %mul3A_0, %arg0 : i32
    %mul3A_1 = arith.constant 128 : i32
    %mul3A_2 = arith.muli %add3A, %mul3A_1 : i32
    "tpu.region"() ({
      %run_scoped3A = tpu.sem_alloc : memref<!tpu.dma_semaphore, #tpu.memory_space<semaphore_mem>>
      %dma_start3A_59 = arith.constant 0 : i32
      %dma_start3A_60 = arith.constant 0 : i32
      %dma_start3A_61 = tpu.memref_slice %arg2[%add3A, %dma_start3A_59, %dma_start3A_60] : memref<32x200x128xi32, #tpu.memory_space<hbm>> -> memref<1x200x128xi32, #tpu.memory_space<hbm>>
      %dma_start3A_62 = tpu.memref_squeeze %dma_start3A_61 : memref<1x200x128xi32, #tpu.memory_space<hbm>> -> memref<200x128xi32, #tpu.memory_space<hbm>>
      %dma_start3A_63 = arith.constant 0 : i32
      %dma_start3A_64 = arith.constant 0 : i32
      %dma_start3A_65 = tpu.memref_slice %arg2[%add3A, %dma_start3A_63, %dma_start3A_64] : memref<32x200x128xi32, #tpu.memory_space<hbm>> -> memref<1x200x128xi32, #tpu.memory_space<hbm>>
      %dma_start3A_66 = tpu.memref_squeeze %dma_start3A_65 : memref<1x200x128xi32, #tpu.memory_space<hbm>> -> memref<200x128xi32, #tpu.memory_space<hbm>>
      tpu.enqueue_dma source(%dma_start3A_66 : memref<200x128xi32, #tpu.memory_space<hbm>>) target(%arg6 : memref<200x128xi32, #tpu.memory_space<vmem>>) target_semaphore(%run_scoped3A : memref<!tpu.dma_semaphore, #tpu.memory_space<semaphore_mem>>)
      %dma_wait3A = arith.constant 0 : i32
      %dma_wait3A_67 = arith.constant 0 : i32
      %dma_wait3A_68 = tpu.memref_slice %arg2[%add3A, %dma_wait3A, %dma_wait3A_67] : memref<32x200x128xi32, #tpu.memory_space<hbm>> -> memref<1x200x128xi32, #tpu.memory_space<hbm>>
      %dma_wait3A_69 = tpu.memref_squeeze %dma_wait3A_68 : memref<1x200x128xi32, #tpu.memory_space<hbm>> -> memref<200x128xi32, #tpu.memory_space<hbm>>
      %dma_wait3A_70 = arith.constant 0 : i32
      %dma_wait3A_71 = arith.constant 0 : i32
      %dma_wait3A_72 = tpu.memref_slice %arg2[%add3A, %dma_wait3A_70, %dma_wait3A_71] : memref<32x200x128xi32, #tpu.memory_space<hbm>> -> memref<1x200x128xi32, #tpu.memory_space<hbm>>
      %dma_wait3A_73 = tpu.memref_squeeze %dma_wait3A_72 : memref<1x200x128xi32, #tpu.memory_space<hbm>> -> memref<200x128xi32, #tpu.memory_space<hbm>>
      tpu.wait_dma2 semaphore(%run_scoped3A : memref<!tpu.dma_semaphore, #tpu.memory_space<semaphore_mem>>) src(%dma_wait3A_73 : memref<200x128xi32, #tpu.memory_space<hbm>>) dst(%arg6 : memref<200x128xi32, #tpu.memory_space<vmem>>)
      tpu.yield
    }) : () -> ()
    %broadcast_in_dim3A = arith.constant 0.000000e+00 : f32
    %broadcast_in_dim3A_3 = vector.broadcast %broadcast_in_dim3A : f32 to vector<16xf32>
    %scan3A = arith.constant 0 : i32
    %scan3A_4 = arith.constant 0 : i32
    %scan3A_5 = arith.constant 128 : i32
    %scan3A_6 = arith.addi %scan3A_4, %scan3A_5 : i32
    %scan3A_7 = arith.constant 1 : i32
    %scan3A_8 = scf.for %scan3A_59 = %scan3A_4 to %scan3A_6 step %scan3A_7 iter_args(%scan3A_60 = %scan3A) -> (i32)  : i32 {
      %swap3A_61 = arith.index_cast %scan3A_59 : i32 to index
      %swap3A_62 = arith.constant 0 : index
      %swap3A_63 = tpu.vector_load %arg8[%swap3A_61, %swap3A_62] {strides = array<i32>} : memref<128x64xf32, #tpu.memory_space<vmem>>, vector<1x16xf32>,
      %swap3A_64 = vector.shape_cast %swap3A_63 : vector<1x16xf32> to vector<16xf32>
      %swap3A_65 = vector.shape_cast %broadcast_in_dim3A_3 : vector<16xf32> to vector<1x16xf32>
      tpu.vector_store %arg8[%swap3A_61, %swap3A_62], %swap3A_65 {strides = array<i32>} : memref<128x64xf32, #tpu.memory_space<vmem>>, vector<1x16xf32>,
      %swap3A_66 = arith.index_cast %scan3A_59 : i32 to index
      %swap3A_67 = arith.constant 16 : index
      %swap3A_68 = tpu.vector_load %arg8[%swap3A_66, %swap3A_67] {strides = array<i32>} : memref<128x64xf32, #tpu.memory_space<vmem>>, vector<1x16xf32>,
      %swap3A_69 = vector.shape_cast %swap3A_68 : vector<1x16xf32> to vector<16xf32>
      %swap3A_70 = vector.shape_cast %broadcast_in_dim3A_3 : vector<16xf32> to vector<1x16xf32>
      tpu.vector_store %arg8[%swap3A_66, %swap3A_67], %swap3A_70 {strides = array<i32>} : memref<128x64xf32, #tpu.memory_space<vmem>>, vector<1x16xf32>,
      %swap3A_71 = arith.index_cast %scan3A_59 : i32 to index
      %swap3A_72 = arith.constant 32 : index
      %swap3A_73 = tpu.vector_load %arg8[%swap3A_71, %swap3A_72] {strides = array<i32>} : memref<128x64xf32, #tpu.memory_space<vmem>>, vector<1x16xf32>,
      %swap3A_74 = vector.shape_cast %swap3A_73 : vector<1x16xf32> to vector<16xf32>
      %swap3A_75 = vector.shape_cast %broadcast_in_dim3A_3 : vector<16xf32> to vector<1x16xf32>
      tpu.vector_store %arg8[%swap3A_71, %swap3A_72], %swap3A_75 {strides = array<i32>} : memref<128x64xf32, #tpu.memory_space<vmem>>, vector<1x16xf32>,
      %swap3A_76 = arith.index_cast %scan3A_59 : i32 to index
      %swap3A_77 = arith.constant 48 : index
      %swap3A_78 = tpu.vector_load %arg8[%swap3A_76, %swap3A_77] {strides = array<i32>} : memref<128x64xf32, #tpu.memory_space<vmem>>, vector<1x16xf32>,
      %swap3A_79 = vector.shape_cast %swap3A_78 : vector<1x16xf32> to vector<16xf32>
      %swap3A_80 = vector.shape_cast %broadcast_in_dim3A_3 : vector<16xf32> to vector<1x16xf32>
      tpu.vector_store %arg8[%swap3A_76, %swap3A_77], %swap3A_80 {strides = array<i32>} : memref<128x64xf32, #tpu.memory_space<vmem>>, vector<1x16xf32>,
      %scan3A_81 = arith.constant 0 : i32
      scf.yield %scan3A_81 : i32
    }
    %scan3A_9 = arith.constant 128 : i32
    %swap3A = arith.constant 0 : index
    %swap3A_10 = tpu.vector_load %arg9[%swap3A] {strides = array<i32>} : memref<128xf32, #tpu.memory_space<vmem>>, vector<16xf32>,
    %swap3A_11 = vector.shape_cast %swap3A_10 : vector<16xf32> to vector<16xf32>
    %swap3A_12 = vector.shape_cast %broadcast_in_dim3A_3 : vector<16xf32> to vector<16xf32>
    tpu.vector_store %arg9[%swap3A], %swap3A_12 {strides = array<i32>} : memref<128xf32, #tpu.memory_space<vmem>>, vector<16xf32>,
    %swap3A_13 = arith.constant 16 : index
    %swap3A_14 = tpu.vector_load %arg9[%swap3A_13] {strides = array<i32>} : memref<128xf32, #tpu.memory_space<vmem>>, vector<16xf32>,
    %swap3A_15 = vector.shape_cast %swap3A_14 : vector<16xf32> to vector<16xf32>
    %swap3A_16 = vector.shape_cast %broadcast_in_dim3A_3 : vector<16xf32> to vector<16xf32>
    tpu.vector_store %arg9[%swap3A_13], %swap3A_16 {strides = array<i32>} : memref<128xf32, #tpu.memory_space<vmem>>, vector<16xf32>,
    %swap3A_17 = arith.constant 32 : index
    %swap3A_18 = tpu.vector_load %arg9[%swap3A_17] {strides = array<i32>} : memref<128xf32, #tpu.memory_space<vmem>>, vector<16xf32>,
    %swap3A_19 = vector.shape_cast %swap3A_18 : vector<16xf32> to vector<16xf32>
    %swap3A_20 = vector.shape_cast %broadcast_in_dim3A_3 : vector<16xf32> to vector<16xf32>
    tpu.vector_store %arg9[%swap3A_17], %swap3A_20 {strides = array<i32>} : memref<128xf32, #tpu.memory_space<vmem>>, vector<16xf32>,
    %swap3A_21 = arith.constant 48 : index
    %swap3A_22 = tpu.vector_load %arg9[%swap3A_21] {strides = array<i32>} : memref<128xf32, #tpu.memory_space<vmem>>, vector<16xf32>,
    %swap3A_23 = vector.shape_cast %swap3A_22 : vector<16xf32> to vector<16xf32>
    %swap3A_24 = vector.shape_cast %broadcast_in_dim3A_3 : vector<16xf32> to vector<16xf32>
    tpu.vector_store %arg9[%swap3A_21], %swap3A_24 {strides = array<i32>} : memref<128xf32, #tpu.memory_space<vmem>>, vector<16xf32>,
    %swap3A_25 = arith.constant 64 : index
    %swap3A_26 = tpu.vector_load %arg9[%swap3A_25] {strides = array<i32>} : memref<128xf32, #tpu.memory_space<vmem>>, vector<16xf32>,
    %swap3A_27 = vector.shape_cast %swap3A_26 : vector<16xf32> to vector<16xf32>
    %swap3A_28 = vector.shape_cast %broadcast_in_dim3A_3 : vector<16xf32> to vector<16xf32>
    tpu.vector_store %arg9[%swap3A_25], %swap3A_28 {strides = array<i32>} : memref<128xf32, #tpu.memory_space<vmem>>, vector<16xf32>,
    %swap3A_29 = arith.constant 80 : index
    %swap3A_30 = tpu.vector_load %arg9[%swap3A_29] {strides = array<i32>} : memref<128xf32, #tpu.memory_space<vmem>>, vector<16xf32>,
    %swap3A_31 = vector.shape_cast %swap3A_30 : vector<16xf32> to vector<16xf32>
    %swap3A_32 = vector.shape_cast %broadcast_in_dim3A_3 : vector<16xf32> to vector<16xf32>
    tpu.vector_store %arg9[%swap3A_29], %swap3A_32 {strides = array<i32>} : memref<128xf32, #tpu.memory_space<vmem>>, vector<16xf32>,
    %swap3A_33 = arith.constant 96 : index
    %swap3A_34 = tpu.vector_load %arg9[%swap3A_33] {strides = array<i32>} : memref<128xf32, #tpu.memory_space<vmem>>, vector<16xf32>,
    %swap3A_35 = vector.shape_cast %swap3A_34 : vector<16xf32> to vector<16xf32>
    %swap3A_36 = vector.shape_cast %broadcast_in_dim3A_3 : vector<16xf32> to vector<16xf32>
    tpu.vector_store %arg9[%swap3A_33], %swap3A_36 {strides = array<i32>} : memref<128xf32, #tpu.memory_space<vmem>>, vector<16xf32>,
    %swap3A_37 = arith.constant 112 : index
    %swap3A_38 = tpu.vector_load %arg9[%swap3A_37] {strides = array<i32>} : memref<128xf32, #tpu.memory_space<vmem>>, vector<16xf32>,
    %swap3A_39 = vector.shape_cast %swap3A_38 : vector<16xf32> to vector<16xf32>
    %swap3A_40 = vector.shape_cast %broadcast_in_dim3A_3 : vector<16xf32> to vector<16xf32>
    tpu.vector_store %arg9[%swap3A_37], %swap3A_40 {strides = array<i32>} : memref<128xf32, #tpu.memory_space<vmem>>, vector<16xf32>,
    %dma_start3A = arith.constant 0 : i32
    %dma_start3A_41 = arith.constant 0 : i32
    %dma_start3A_42 = arith.constant 0 : i32
    %dma_start3A_43 = arith.constant 0 : i32
    %dma_start3A_44 = tpu.memref_slice %arg7[%dma_start3A_41, %dma_start3A_42, %dma_start3A_43] : memref<2x128x64xf32, #tpu.memory_space<vmem>> -> memref<1x128x64xf32, #tpu.memory_space<vmem>>
    %dma_start3A_45 = tpu.memref_squeeze %dma_start3A_44 : memref<1x128x64xf32, #tpu.memory_space<vmem>> -> memref<128x64xf32, #tpu.memory_space<vmem>>
    %dma_start3A_46 = arith.constant 0 : i32
    %dma_start3A_47 = tpu.memref_slice %arg6[%dma_start3A, %dma_start3A_46] : memref<200x128xi32, #tpu.memory_space<vmem>> -> memref<1x128xi32, #tpu.memory_space<vmem>>
    %dma_start3A_48 = tpu.memref_squeeze %dma_start3A_47 : memref<1x128xi32, #tpu.memory_space<vmem>> -> memref<128xi32, #tpu.memory_space<vmem>>
    %dma_start3A_49 = arith.constant 0 : i32
    %dma_start3A_50 = arith.constant 0 : i32
    %dma_start3A_51 = tpu.memref_slice %arg3[%dma_start3A_49, %dma_start3A_50] : memref<1000001x64xf32, #tpu.memory_space<hbm>> -> memref<1000001x64xf32, #tpu.memory_space<hbm>>
    tpu.enqueue_indirect_dma source(%dma_start3A_51 : memref<1000001x64xf32, #tpu.memory_space<hbm>>) target(%dma_start3A_45 : memref<128x64xf32, #tpu.memory_space<vmem>>) offsets(%dma_start3A_48 : memref<128xi32, #tpu.memory_space<vmem>>) semaphore(%arg10 : memref<!tpu.dma_semaphore, #tpu.memory_space<semaphore_mem>>)
    %scan3A_52 = arith.constant 0 : i32
    %scan3A_53 = arith.constant 0 : i32
    %scan3A_54 = arith.constant 100 : i32
    %scan3A_55 = arith.addi %scan3A_53, %scan3A_54 : i32
    %scan3A_56 = arith.constant 1 : i32
    %scan3A_57 = scf.for %scan3A_59 = %scan3A_53 to %scan3A_55 step %scan3A_56 iter_args(%scan3A_60 = %scan3A_52) -> (i32)  : i32 {
      %mul3A_61 = arith.constant 2 : i32
      %mul3A_62 = arith.muli %mul3A_61, %scan3A_59 : i32
      %add3A_63 = arith.constant 1 : i32
      %add3A_64 = arith.addi %mul3A_62, %add3A_63 : i32
      %dma_start3A_65 = arith.constant 1 : i32
      %dma_start3A_66 = arith.constant 0 : i32
      %dma_start3A_67 = arith.constant 0 : i32
      %dma_start3A_68 = tpu.memref_slice %arg7[%dma_start3A_65, %dma_start3A_66, %dma_start3A_67] : memref<2x128x64xf32, #tpu.memory_space<vmem>> -> memref<1x128x64xf32, #tpu.memory_space<vmem>>
      %dma_start3A_69 = tpu.memref_squeeze %dma_start3A_68 : memref<1x128x64xf32, #tpu.memory_space<vmem>> -> memref<128x64xf32, #tpu.memory_space<vmem>>
      %dma_start3A_70 = arith.constant 0 : i32
      %dma_start3A_71 = tpu.memref_slice %arg6[%add3A_64, %dma_start3A_70] : memref<200x128xi32, #tpu.memory_space<vmem>> -> memref<1x128xi32, #tpu.memory_space<vmem>>
      %dma_start3A_72 = tpu.memref_squeeze %dma_start3A_71 : memref<1x128xi32, #tpu.memory_space<vmem>> -> memref<128xi32, #tpu.memory_space<vmem>>
      %dma_start3A_73 = arith.constant 0 : i32
      %dma_start3A_74 = arith.constant 0 : i32
      %dma_start3A_75 = tpu.memref_slice %arg3[%dma_start3A_73, %dma_start3A_74] : memref<1000001x64xf32, #tpu.memory_space<hbm>> -> memref<1000001x64xf32, #tpu.memory_space<hbm>>
      tpu.enqueue_indirect_dma source(%dma_start3A_75 : memref<1000001x64xf32, #tpu.memory_space<hbm>>) target(%dma_start3A_69 : memref<128x64xf32, #tpu.memory_space<vmem>>) offsets(%dma_start3A_72 : memref<128xi32, #tpu.memory_space<vmem>>) semaphore(%arg11 : memref<!tpu.dma_semaphore, #tpu.memory_space<semaphore_mem>>)
      %dma_wait3A = arith.constant 0 : i32
      %dma_wait3A_76 = arith.constant 0 : i32
      %dma_wait3A_77 = arith.constant 0 : i32
      %dma_wait3A_78 = tpu.memref_slice %arg7[%dma_wait3A, %dma_wait3A_76, %dma_wait3A_77] : memref<2x128x64xf32, #tpu.memory_space<vmem>> -> memref<1x128x64xf32, #tpu.memory_space<vmem>>
      %dma_wait3A_79 = tpu.memref_squeeze %dma_wait3A_78 : memref<1x128x64xf32, #tpu.memory_space<vmem>> -> memref<128x64xf32, #tpu.memory_space<vmem>>
      %dma_wait3A_80 = arith.constant 0 : i32
      %dma_wait3A_81 = tpu.memref_slice %arg6[%mul3A_62, %dma_wait3A_80] : memref<200x128xi32, #tpu.memory_space<vmem>> -> memref<1x128xi32, #tpu.memory_space<vmem>>
      %dma_wait3A_82 = tpu.memref_squeeze %dma_wait3A_81 : memref<1x128xi32, #tpu.memory_space<vmem>> -> memref<128xi32, #tpu.memory_space<vmem>>
      %dma_wait3A_83 = arith.constant 0 : i32
      %dma_wait3A_84 = arith.constant 0 : i32
      %dma_wait3A_85 = tpu.memref_slice %arg3[%dma_wait3A_83, %dma_wait3A_84] : memref<1000001x64xf32, #tpu.memory_space<hbm>> -> memref<1000001x64xf32, #tpu.memory_space<hbm>>
      tpu.wait_indirect_dma semaphore(%arg10 : memref<!tpu.dma_semaphore, #tpu.memory_space<semaphore_mem>>) src(%dma_wait3A_85 : memref<1000001x64xf32, #tpu.memory_space<hbm>>) dst(%dma_wait3A_79 : memref<128x64xf32, #tpu.memory_space<vmem>>)
      %scan3A_86 = arith.constant 0 : i32
      %scan3A_87 = arith.constant 0 : i32
      %scan3A_88 = arith.constant 128 : i32
      %scan3A_89 = arith.addi %scan3A_87, %scan3A_88 : i32
      %scan3A_90 = arith.constant 4 : i32
      %scan3A_91 = scf.for %scan3A_372 = %scan3A_87 to %scan3A_89 step %scan3A_90 iter_args(%scan3A_373 = %scan3A_86) -> (i32)  : i32 {
        %get3A_374 = arith.constant 0 : i32
        %get3A_375 = arith.index_cast %get3A_374 : i32 to index
        %get3A_376 = arith.index_cast %scan3A_372 : i32 to index
        %get3A_377 = arith.constant 0 : index
        %get3A_378 = tpu.vector_load %arg7[%get3A_375, %get3A_376, %get3A_377] {strides = array<i32>} : memref<2x128x64xf32, #tpu.memory_space<vmem>>, vector<1x1x16xf32>,
        %get3A_379 = vector.shape_cast %get3A_378 : vector<1x1x16xf32> to vector<16xf32>
        %swap3A_380 = arith.index_cast %scan3A_372 : i32 to index
        %swap3A_381 = arith.constant 0 : index
        %swap3A_382 = tpu.vector_load %arg8[%swap3A_380, %swap3A_381] {strides = array<i32>} : memref<128x64xf32, #tpu.memory_space<vmem>>, vector<1x16xf32>,
        %swap3A_383 = vector.shape_cast %swap3A_382 : vector<1x16xf32> to vector<16xf32>
        %swap3A_384 = vector.shape_cast %get3A_379 : vector<16xf32> to vector<1x16xf32>
        tpu.vector_store %arg8[%swap3A_380, %swap3A_381], %swap3A_384 {add = true, strides = array<i32>} : memref<128x64xf32, #tpu.memory_space<vmem>>, vector<1x16xf32>,
        %get3A_385 = arith.constant 0 : i32
        %get3A_386 = arith.index_cast %get3A_385 : i32 to index
        %get3A_387 = arith.index_cast %scan3A_372 : i32 to index
        %get3A_388 = arith.constant 16 : index
        %get3A_389 = tpu.vector_load %arg7[%get3A_386, %get3A_387, %get3A_388] {strides = array<i32>} : memref<2x128x64xf32, #tpu.memory_space<vmem>>, vector<1x1x16xf32>,
        %get3A_390 = vector.shape_cast %get3A_389 : vector<1x1x16xf32> to vector<16xf32>
        %swap3A_391 = arith.index_cast %scan3A_372 : i32 to index
        %swap3A_392 = arith.constant 16 : index
        %swap3A_393 = tpu.vector_load %arg8[%swap3A_391, %swap3A_392] {strides = array<i32>} : memref<128x64xf32, #tpu.memory_space<vmem>>, vector<1x16xf32>,
        %swap3A_394 = vector.shape_cast %swap3A_393 : vector<1x16xf32> to vector<16xf32>
        %swap3A_395 = vector.shape_cast %get3A_390 : vector<16xf32> to vector<1x16xf32>
        tpu.vector_store %arg8[%swap3A_391, %swap3A_392], %swap3A_395 {add = true, strides = array<i32>} : memref<128x64xf32, #tpu.memory_space<vmem>>, vector<1x16xf32>,
        %get3A_396 = arith.constant 0 : i32
        %get3A_397 = arith.index_cast %get3A_396 : i32 to index
        %get3A_398 = arith.index_cast %scan3A_372 : i32 to index
        %get3A_399 = arith.constant 32 : index
        %get3A_400 = tpu.vector_load %arg7[%get3A_397, %get3A_398, %get3A_399] {strides = array<i32>} : memref<2x128x64xf32, #tpu.memory_space<vmem>>, vector<1x1x16xf32>,
        %get3A_401 = vector.shape_cast %get3A_400 : vector<1x1x16xf32> to vector<16xf32>
        %swap3A_402 = arith.index_cast %scan3A_372 : i32 to index
        %swap3A_403 = arith.constant 32 : index
        %swap3A_404 = tpu.vector_load %arg8[%swap3A_402, %swap3A_403] {strides = array<i32>} : memref<128x64xf32, #tpu.memory_space<vmem>>, vector<1x16xf32>,
        %swap3A_405 = vector.shape_cast %swap3A_404 : vector<1x16xf32> to vector<16xf32>
        %swap3A_406 = vector.shape_cast %get3A_401 : vector<16xf32> to vector<1x16xf32>
        tpu.vector_store %arg8[%swap3A_402, %swap3A_403], %swap3A_406 {add = true, strides = array<i32>} : memref<128x64xf32, #tpu.memory_space<vmem>>, vector<1x16xf32>,
        %get3A_407 = arith.constant 0 : i32
        %get3A_408 = arith.index_cast %get3A_407 : i32 to index
        %get3A_409 = arith.index_cast %scan3A_372 : i32 to index
        %get3A_410 = arith.constant 48 : index
        %get3A_411 = tpu.vector_load %arg7[%get3A_408, %get3A_409, %get3A_410] {strides = array<i32>} : memref<2x128x64xf32, #tpu.memory_space<vmem>>, vector<1x1x16xf32>,
        %get3A_412 = vector.shape_cast %get3A_411 : vector<1x1x16xf32> to vector<16xf32>
        %swap3A_413 = arith.index_cast %scan3A_372 : i32 to index
        %swap3A_414 = arith.constant 48 : index
        %swap3A_415 = tpu.vector_load %arg8[%swap3A_413, %swap3A_414] {strides = array<i32>} : memref<128x64xf32, #tpu.memory_space<vmem>>, vector<1x16xf32>,
        %swap3A_416 = vector.shape_cast %swap3A_415 : vector<1x16xf32> to vector<16xf32>
        %swap3A_417 = vector.shape_cast %get3A_412 : vector<16xf32> to vector<1x16xf32>
        tpu.vector_store %arg8[%swap3A_413, %swap3A_414], %swap3A_417 {add = true, strides = array<i32>} : memref<128x64xf32, #tpu.memory_space<vmem>>, vector<1x16xf32>,
        %scan3A_418 = arith.constant 0 : i32
        %scan3A_419 = arith.constant 1 : i32
        %scan3A_420 = arith.addi %scan3A_372, %scan3A_419 : i32
        %get3A_421 = arith.constant 0 : i32
        %get3A_422 = arith.index_cast %get3A_421 : i32 to index
        %get3A_423 = arith.index_cast %scan3A_420 : i32 to index
        %get3A_424 = arith.constant 0 : index
        %get3A_425 = tpu.vector_load %arg7[%get3A_422, %get3A_423, %get3A_424] {strides = array<i32>} : memref<2x128x64xf32, #tpu.memory_space<vmem>>, vector<1x1x16xf32>,
        %get3A_426 = vector.shape_cast %get3A_425 : vector<1x1x16xf32> to vector<16xf32>
        %swap3A_427 = arith.index_cast %scan3A_420 : i32 to index
        %swap3A_428 = arith.constant 0 : index
        %swap3A_429 = tpu.vector_load %arg8[%swap3A_427, %swap3A_428] {strides = array<i32>} : memref<128x64xf32, #tpu.memory_space<vmem>>, vector<1x16xf32>,
        %swap3A_430 = vector.shape_cast %swap3A_429 : vector<1x16xf32> to vector<16xf32>
        %swap3A_431 = vector.shape_cast %get3A_426 : vector<16xf32> to vector<1x16xf32>
        tpu.vector_store %arg8[%swap3A_427, %swap3A_428], %swap3A_431 {add = true, strides = array<i32>} : memref<128x64xf32, #tpu.memory_space<vmem>>, vector<1x16xf32>,
        %get3A_432 = arith.constant 0 : i32
        %get3A_433 = arith.index_cast %get3A_432 : i32 to index
        %get3A_434 = arith.index_cast %scan3A_420 : i32 to index
        %get3A_435 = arith.constant 16 : index
        %get3A_436 = tpu.vector_load %arg7[%get3A_433, %get3A_434, %get3A_435] {strides = array<i32>} : memref<2x128x64xf32, #tpu.memory_space<vmem>>, vector<1x1x16xf32>,
        %get3A_437 = vector.shape_cast %get3A_436 : vector<1x1x16xf32> to vector<16xf32>
        %swap3A_438 = arith.index_cast %scan3A_420 : i32 to index
        %swap3A_439 = arith.constant 16 : index
        %swap3A_440 = tpu.vector_load %arg8[%swap3A_438, %swap3A_439] {strides = array<i32>} : memref<128x64xf32, #tpu.memory_space<vmem>>, vector<1x16xf32>,
        %swap3A_441 = vector.shape_cast %swap3A_440 : vector<1x16xf32> to vector<16xf32>
        %swap3A_442 = vector.shape_cast %get3A_437 : vector<16xf32> to vector<1x16xf32>
        tpu.vector_store %arg8[%swap3A_438, %swap3A_439], %swap3A_442 {add = true, strides = array<i32>} : memref<128x64xf32, #tpu.memory_space<vmem>>, vector<1x16xf32>,
        %get3A_443 = arith.constant 0 : i32
        %get3A_444 = arith.index_cast %get3A_443 : i32 to index
        %get3A_445 = arith.index_cast %scan3A_420 : i32 to index
        %get3A_446 = arith.constant 32 : index
        %get3A_447 = tpu.vector_load %arg7[%get3A_444, %get3A_445, %get3A_446] {strides = array<i32>} : memref<2x128x64xf32, #tpu.memory_space<vmem>>, vector<1x1x16xf32>,
        %get3A_448 = vector.shape_cast %get3A_447 : vector<1x1x16xf32> to vector<16xf32>
        %swap3A_449 = arith.index_cast %scan3A_420 : i32 to index
        %swap3A_450 = arith.constant 32 : index
        %swap3A_451 = tpu.vector_load %arg8[%swap3A_449, %swap3A_450] {strides = array<i32>} : memref<128x64xf32, #tpu.memory_space<vmem>>, vector<1x16xf32>,
        %swap3A_452 = vector.shape_cast %swap3A_451 : vector<1x16xf32> to vector<16xf32>
        %swap3A_453 = vector.shape_cast %get3A_448 : vector<16xf32> to vector<1x16xf32>
        tpu.vector_store %arg8[%swap3A_449, %swap3A_450], %swap3A_453 {add = true, strides = array<i32>} : memref<128x64xf32, #tpu.memory_space<vmem>>, vector<1x16xf32>,
        %get3A_454 = arith.constant 0 : i32
        %get3A_455 = arith.index_cast %get3A_454 : i32 to index
        %get3A_456 = arith.index_cast %scan3A_420 : i32 to index
        %get3A_457 = arith.constant 48 : index
        %get3A_458 = tpu.vector_load %arg7[%get3A_455, %get3A_456, %get3A_457] {strides = array<i32>} : memref<2x128x64xf32, #tpu.memory_space<vmem>>, vector<1x1x16xf32>,
        %get3A_459 = vector.shape_cast %get3A_458 : vector<1x1x16xf32> to vector<16xf32>
        %swap3A_460 = arith.index_cast %scan3A_420 : i32 to index
        %swap3A_461 = arith.constant 48 : index
        %swap3A_462 = tpu.vector_load %arg8[%swap3A_460, %swap3A_461] {strides = array<i32>} : memref<128x64xf32, #tpu.memory_space<vmem>>, vector<1x16xf32>,
        %swap3A_463 = vector.shape_cast %swap3A_462 : vector<1x16xf32> to vector<16xf32>
        %swap3A_464 = vector.shape_cast %get3A_459 : vector<16xf32> to vector<1x16xf32>
        tpu.vector_store %arg8[%swap3A_460, %swap3A_461], %swap3A_464 {add = true, strides = array<i32>} : memref<128x64xf32, #tpu.memory_space<vmem>>, vector<1x16xf32>,
        %scan3A_465 = arith.constant 0 : i32
        %scan3A_466 = arith.constant 2 : i32
        %scan3A_467 = arith.addi %scan3A_372, %scan3A_466 : i32
        %get3A_468 = arith.constant 0 : i32
        %get3A_469 = arith.index_cast %get3A_468 : i32 to index
        %get3A_470 = arith.index_cast %scan3A_467 : i32 to index
        %get3A_471 = arith.constant 0 : index
        %get3A_472 = tpu.vector_load %arg7[%get3A_469, %get3A_470, %get3A_471] {strides = array<i32>} : memref<2x128x64xf32, #tpu.memory_space<vmem>>, vector<1x1x16xf32>,
        %get3A_473 = vector.shape_cast %get3A_472 : vector<1x1x16xf32> to vector<16xf32>
        %swap3A_474 = arith.index_cast %scan3A_467 : i32 to index
        %swap3A_475 = arith.constant 0 : index
        %swap3A_476 = tpu.vector_load %arg8[%swap3A_474, %swap3A_475] {strides = array<i32>} : memref<128x64xf32, #tpu.memory_space<vmem>>, vector<1x16xf32>,
        %swap3A_477 = vector.shape_cast %swap3A_476 : vector<1x16xf32> to vector<16xf32>
        %swap3A_478 = vector.shape_cast %get3A_473 : vector<16xf32> to vector<1x16xf32>
        tpu.vector_store %arg8[%swap3A_474, %swap3A_475], %swap3A_478 {add = true, strides = array<i32>} : memref<128x64xf32, #tpu.memory_space<vmem>>, vector<1x16xf32>,
        %get3A_479 = arith.constant 0 : i32
        %get3A_480 = arith.index_cast %get3A_479 : i32 to index
        %get3A_481 = arith.index_cast %scan3A_467 : i32 to index
        %get3A_482 = arith.constant 16 : index
        %get3A_483 = tpu.vector_load %arg7[%get3A_480, %get3A_481, %get3A_482] {strides = array<i32>} : memref<2x128x64xf32, #tpu.memory_space<vmem>>, vector<1x1x16xf32>,
        %get3A_484 = vector.shape_cast %get3A_483 : vector<1x1x16xf32> to vector<16xf32>
        %swap3A_485 = arith.index_cast %scan3A_467 : i32 to index
        %swap3A_486 = arith.constant 16 : index
        %swap3A_487 = tpu.vector_load %arg8[%swap3A_485, %swap3A_486] {strides = array<i32>} : memref<128x64xf32, #tpu.memory_space<vmem>>, vector<1x16xf32>,
        %swap3A_488 = vector.shape_cast %swap3A_487 : vector<1x16xf32> to vector<16xf32>
        %swap3A_489 = vector.shape_cast %get3A_484 : vector<16xf32> to vector<1x16xf32>
        tpu.vector_store %arg8[%swap3A_485, %swap3A_486], %swap3A_489 {add = true, strides = array<i32>} : memref<128x64xf32, #tpu.memory_space<vmem>>, vector<1x16xf32>,
        %get3A_490 = arith.constant 0 : i32
        %get3A_491 = arith.index_cast %get3A_490 : i32 to index
        %get3A_492 = arith.index_cast %scan3A_467 : i32 to index
        %get3A_493 = arith.constant 32 : index
        %get3A_494 = tpu.vector_load %arg7[%get3A_491, %get3A_492, %get3A_493] {strides = array<i32>} : memref<2x128x64xf32, #tpu.memory_space<vmem>>, vector<1x1x16xf32>,
        %get3A_495 = vector.shape_cast %get3A_494 : vector<1x1x16xf32> to vector<16xf32>
        %swap3A_496 = arith.index_cast %scan3A_467 : i32 to index
        %swap3A_497 = arith.constant 32 : index
        %swap3A_498 = tpu.vector_load %arg8[%swap3A_496, %swap3A_497] {strides = array<i32>} : memref<128x64xf32, #tpu.memory_space<vmem>>, vector<1x16xf32>,
        %swap3A_499 = vector.shape_cast %swap3A_498 : vector<1x16xf32> to vector<16xf32>
        %swap3A_500 = vector.shape_cast %get3A_495 : vector<16xf32> to vector<1x16xf32>
        tpu.vector_store %arg8[%swap3A_496, %swap3A_497], %swap3A_500 {add = true, strides = array<i32>} : memref<128x64xf32, #tpu.memory_space<vmem>>, vector<1x16xf32>,
        %get3A_501 = arith.constant 0 : i32
        %get3A_502 = arith.index_cast %get3A_501 : i32 to index
        %get3A_503 = arith.index_cast %scan3A_467 : i32 to index
        %get3A_504 = arith.constant 48 : index
        %get3A_505 = tpu.vector_load %arg7[%get3A_502, %get3A_503, %get3A_504] {strides = array<i32>} : memref<2x128x64xf32, #tpu.memory_space<vmem>>, vector<1x1x16xf32>,
        %get3A_506 = vector.shape_cast %get3A_505 : vector<1x1x16xf32> to vector<16xf32>
        %swap3A_507 = arith.index_cast %scan3A_467 : i32 to index
        %swap3A_508 = arith.constant 48 : index
        %swap3A_509 = tpu.vector_load %arg8[%swap3A_507, %swap3A_508] {strides = array<i32>} : memref<128x64xf32, #tpu.memory_space<vmem>>, vector<1x16xf32>,
        %swap3A_510 = vector.shape_cast %swap3A_509 : vector<1x16xf32> to vector<16xf32>
        %swap3A_511 = vector.shape_cast %get3A_506 : vector<16xf32> to vector<1x16xf32>
        tpu.vector_store %arg8[%swap3A_507, %swap3A_508], %swap3A_511 {add = true, strides = array<i32>} : memref<128x64xf32, #tpu.memory_space<vmem>>, vector<1x16xf32>,
        %scan3A_512 = arith.constant 0 : i32
        %scan3A_513 = arith.constant 3 : i32
        %scan3A_514 = arith.addi %scan3A_372, %scan3A_513 : i32
        %get3A_515 = arith.constant 0 : i32
        %get3A_516 = arith.index_cast %get3A_515 : i32 to index
        %get3A_517 = arith.index_cast %scan3A_514 : i32 to index
        %get3A_518 = arith.constant 0 : index
        %get3A_519 = tpu.vector_load %arg7[%get3A_516, %get3A_517, %get3A_518] {strides = array<i32>} : memref<2x128x64xf32, #tpu.memory_space<vmem>>, vector<1x1x16xf32>,
        %get3A_520 = vector.shape_cast %get3A_519 : vector<1x1x16xf32> to vector<16xf32>
        %swap3A_521 = arith.index_cast %scan3A_514 : i32 to index
        %swap3A_522 = arith.constant 0 : index
        %swap3A_523 = tpu.vector_load %arg8[%swap3A_521, %swap3A_522] {strides = array<i32>} : memref<128x64xf32, #tpu.memory_space<vmem>>, vector<1x16xf32>,
        %swap3A_524 = vector.shape_cast %swap3A_523 : vector<1x16xf32> to vector<16xf32>
        %swap3A_525 = vector.shape_cast %get3A_520 : vector<16xf32> to vector<1x16xf32>
        tpu.vector_store %arg8[%swap3A_521, %swap3A_522], %swap3A_525 {add = true, strides = array<i32>} : memref<128x64xf32, #tpu.memory_space<vmem>>, vector<1x16xf32>,
        %get3A_526 = arith.constant 0 : i32
        %get3A_527 = arith.index_cast %get3A_526 : i32 to index
        %get3A_528 = arith.index_cast %scan3A_514 : i32 to index
        %get3A_529 = arith.constant 16 : index
        %get3A_530 = tpu.vector_load %arg7[%get3A_527, %get3A_528, %get3A_529] {strides = array<i32>} : memref<2x128x64xf32, #tpu.memory_space<vmem>>, vector<1x1x16xf32>,
        %get3A_531 = vector.shape_cast %get3A_530 : vector<1x1x16xf32> to vector<16xf32>
        %swap3A_532 = arith.index_cast %scan3A_514 : i32 to index
        %swap3A_533 = arith.constant 16 : index
        %swap3A_534 = tpu.vector_load %arg8[%swap3A_532, %swap3A_533] {strides = array<i32>} : memref<128x64xf32, #tpu.memory_space<vmem>>, vector<1x16xf32>,
        %swap3A_535 = vector.shape_cast %swap3A_534 : vector<1x16xf32> to vector<16xf32>
        %swap3A_536 = vector.shape_cast %get3A_531 : vector<16xf32> to vector<1x16xf32>
        tpu.vector_store %arg8[%swap3A_532, %swap3A_533], %swap3A_536 {add = true, strides = array<i32>} : memref<128x64xf32, #tpu.memory_space<vmem>>, vector<1x16xf32>,
        %get3A_537 = arith.constant 0 : i32
        %get3A_538 = arith.index_cast %get3A_537 : i32 to index
        %get3A_539 = arith.index_cast %scan3A_514 : i32 to index
        %get3A_540 = arith.constant 32 : index
        %get3A_541 = tpu.vector_load %arg7[%get3A_538, %get3A_539, %get3A_540] {strides = array<i32>} : memref<2x128x64xf32, #tpu.memory_space<vmem>>, vector<1x1x16xf32>,
        %get3A_542 = vector.shape_cast %get3A_541 : vector<1x1x16xf32> to vector<16xf32>
        %swap3A_543 = arith.index_cast %scan3A_514 : i32 to index
        %swap3A_544 = arith.constant 32 : index
        %swap3A_545 = tpu.vector_load %arg8[%swap3A_543, %swap3A_544] {strides = array<i32>} : memref<128x64xf32, #tpu.memory_space<vmem>>, vector<1x16xf32>,
        %swap3A_546 = vector.shape_cast %swap3A_545 : vector<1x16xf32> to vector<16xf32>
        %swap3A_547 = vector.shape_cast %get3A_542 : vector<16xf32> to vector<1x16xf32>
        tpu.vector_store %arg8[%swap3A_543, %swap3A_544], %swap3A_547 {add = true, strides = array<i32>} : memref<128x64xf32, #tpu.memory_space<vmem>>, vector<1x16xf32>,
        %get3A_548 = arith.constant 0 : i32
        %get3A_549 = arith.index_cast %get3A_548 : i32 to index
        %get3A_550 = arith.index_cast %scan3A_514 : i32 to index
        %get3A_551 = arith.constant 48 : index
        %get3A_552 = tpu.vector_load %arg7[%get3A_549, %get3A_550, %get3A_551] {strides = array<i32>} : memref<2x128x64xf32, #tpu.memory_space<vmem>>, vector<1x1x16xf32>,
        %get3A_553 = vector.shape_cast %get3A_552 : vector<1x1x16xf32> to vector<16xf32>
        %swap3A_554 = arith.index_cast %scan3A_514 : i32 to index
        %swap3A_555 = arith.constant 48 : index
        %swap3A_556 = tpu.vector_load %arg8[%swap3A_554, %swap3A_555] {strides = array<i32>} : memref<128x64xf32, #tpu.memory_space<vmem>>, vector<1x16xf32>,
        %swap3A_557 = vector.shape_cast %swap3A_556 : vector<1x16xf32> to vector<16xf32>
        %swap3A_558 = vector.shape_cast %get3A_553 : vector<16xf32> to vector<1x16xf32>
        tpu.vector_store %arg8[%swap3A_554, %swap3A_555], %swap3A_558 {add = true, strides = array<i32>} : memref<128x64xf32, #tpu.memory_space<vmem>>, vector<1x16xf32>,
        %scan3A_559 = arith.constant 0 : i32
        scf.yield %scan3A_559 : i32
      }
      %scan3A_92 = arith.constant 128 : i32
      %get3A = arith.index_cast %mul3A_62 : i32 to index
      %get3A_93 = arith.constant 0 : index
      %get3A_94 = tpu.vector_load %arg6[%get3A, %get3A_93] {strides = array<i32>} : memref<200x128xi32, #tpu.memory_space<vmem>>, vector<1x16xi32>,
      %get3A_95 = vector.shape_cast %get3A_94 : vector<1x16xi32> to vector<16xi32>
      %gt3A = arith.constant 0 : i32
      %gt3A_96 = vector.broadcast %gt3A : i32 to vector<16xi32>
      %gt3A_97 = arith.cmpi sgt, %get3A_95, %gt3A_96 : vector<16xi32>
      %jit3A = arith.constant 1.000000e+00 : f32
      %jit3A_98 = arith.constant 0.000000e+00 : f32
      %broadcast_in_dim3A_99 = vector.broadcast %jit3A : f32 to vector<16xf32>
      %broadcast_in_dim3A_100 = vector.broadcast %jit3A_98 : f32 to vector<16xf32>
      %select_n3A = arith.select %gt3A_97, %broadcast_in_dim3A_99, %broadcast_in_dim3A_100 : vector<16xi1>, vector<16xf32>
      %swap3A_101 = arith.constant 0 : index
      %swap3A_102 = tpu.vector_load %arg9[%swap3A_101] {strides = array<i32>} : memref<128xf32, #tpu.memory_space<vmem>>, vector<16xf32>,
      %swap3A_103 = vector.shape_cast %swap3A_102 : vector<16xf32> to vector<16xf32>
      %swap3A_104 = vector.shape_cast %select_n3A : vector<16xf32> to vector<16xf32>
      tpu.vector_store %arg9[%swap3A_101], %swap3A_104 {add = true, strides = array<i32>} : memref<128xf32, #tpu.memory_space<vmem>>, vector<16xf32>,
      %get3A_105 = arith.index_cast %mul3A_62 : i32 to index
      %get3A_106 = arith.constant 16 : index
      %get3A_107 = tpu.vector_load %arg6[%get3A_105, %get3A_106] {strides = array<i32>} : memref<200x128xi32, #tpu.memory_space<vmem>>, vector<1x16xi32>,
      %get3A_108 = vector.shape_cast %get3A_107 : vector<1x16xi32> to vector<16xi32>
      %gt3A_109 = arith.constant 0 : i32
      %gt3A_110 = vector.broadcast %gt3A_109 : i32 to vector<16xi32>
      %gt3A_111 = arith.cmpi sgt, %get3A_108, %gt3A_110 : vector<16xi32>
      %jit3A_112 = arith.constant 1.000000e+00 : f32
      %jit3A_113 = arith.constant 0.000000e+00 : f32
      %broadcast_in_dim3A_114 = vector.broadcast %jit3A_112 : f32 to vector<16xf32>
      %broadcast_in_dim3A_115 = vector.broadcast %jit3A_113 : f32 to vector<16xf32>
      %select_n3A_116 = arith.select %gt3A_111, %broadcast_in_dim3A_114, %broadcast_in_dim3A_115 : vector<16xi1>, vector<16xf32>
      %swap3A_117 = arith.constant 16 : index
      %swap3A_118 = tpu.vector_load %arg9[%swap3A_117] {strides = array<i32>} : memref<128xf32, #tpu.memory_space<vmem>>, vector<16xf32>,
      %swap3A_119 = vector.shape_cast %swap3A_118 : vector<16xf32> to vector<16xf32>
      %swap3A_120 = vector.shape_cast %select_n3A_116 : vector<16xf32> to vector<16xf32>
      tpu.vector_store %arg9[%swap3A_117], %swap3A_120 {add = true, strides = array<i32>} : memref<128xf32, #tpu.memory_space<vmem>>, vector<16xf32>,
      %get3A_121 = arith.index_cast %mul3A_62 : i32 to index
      %get3A_122 = arith.constant 32 : index
      %get3A_123 = tpu.vector_load %arg6[%get3A_121, %get3A_122] {strides = array<i32>} : memref<200x128xi32, #tpu.memory_space<vmem>>, vector<1x16xi32>,
      %get3A_124 = vector.shape_cast %get3A_123 : vector<1x16xi32> to vector<16xi32>
      %gt3A_125 = arith.constant 0 : i32
      %gt3A_126 = vector.broadcast %gt3A_125 : i32 to vector<16xi32>
      %gt3A_127 = arith.cmpi sgt, %get3A_124, %gt3A_126 : vector<16xi32>
      %jit3A_128 = arith.constant 1.000000e+00 : f32
      %jit3A_129 = arith.constant 0.000000e+00 : f32
      %broadcast_in_dim3A_130 = vector.broadcast %jit3A_128 : f32 to vector<16xf32>
      %broadcast_in_dim3A_131 = vector.broadcast %jit3A_129 : f32 to vector<16xf32>
      %select_n3A_132 = arith.select %gt3A_127, %broadcast_in_dim3A_130, %broadcast_in_dim3A_131 : vector<16xi1>, vector<16xf32>
      %swap3A_133 = arith.constant 32 : index
      %swap3A_134 = tpu.vector_load %arg9[%swap3A_133] {strides = array<i32>} : memref<128xf32, #tpu.memory_space<vmem>>, vector<16xf32>,
      %swap3A_135 = vector.shape_cast %swap3A_134 : vector<16xf32> to vector<16xf32>
      %swap3A_136 = vector.shape_cast %select_n3A_132 : vector<16xf32> to vector<16xf32>
      tpu.vector_store %arg9[%swap3A_133], %swap3A_136 {add = true, strides = array<i32>} : memref<128xf32, #tpu.memory_space<vmem>>, vector<16xf32>,
      %get3A_137 = arith.index_cast %mul3A_62 : i32 to index
      %get3A_138 = arith.constant 48 : index
      %get3A_139 = tpu.vector_load %arg6[%get3A_137, %get3A_138] {strides = array<i32>} : memref<200x128xi32, #tpu.memory_space<vmem>>, vector<1x16xi32>,
      %get3A_140 = vector.shape_cast %get3A_139 : vector<1x16xi32> to vector<16xi32>
      %gt3A_141 = arith.constant 0 : i32
      %gt3A_142 = vector.broadcast %gt3A_141 : i32 to vector<16xi32>
      %gt3A_143 = arith.cmpi sgt, %get3A_140, %gt3A_142 : vector<16xi32>
      %jit3A_144 = arith.constant 1.000000e+00 : f32
      %jit3A_145 = arith.constant 0.000000e+00 : f32
      %broadcast_in_dim3A_146 = vector.broadcast %jit3A_144 : f32 to vector<16xf32>
      %broadcast_in_dim3A_147 = vector.broadcast %jit3A_145 : f32 to vector<16xf32>
      %select_n3A_148 = arith.select %gt3A_143, %broadcast_in_dim3A_146, %broadcast_in_dim3A_147 : vector<16xi1>, vector<16xf32>
      %swap3A_149 = arith.constant 48 : index
      %swap3A_150 = tpu.vector_load %arg9[%swap3A_149] {strides = array<i32>} : memref<128xf32, #tpu.memory_space<vmem>>, vector<16xf32>,
      %swap3A_151 = vector.shape_cast %swap3A_150 : vector<16xf32> to vector<16xf32>
      %swap3A_152 = vector.shape_cast %select_n3A_148 : vector<16xf32> to vector<16xf32>
      tpu.vector_store %arg9[%swap3A_149], %swap3A_152 {add = true, strides = array<i32>} : memref<128xf32, #tpu.memory_space<vmem>>, vector<16xf32>,
      %get3A_153 = arith.index_cast %mul3A_62 : i32 to index
      %get3A_154 = arith.constant 64 : index
      %get3A_155 = tpu.vector_load %arg6[%get3A_153, %get3A_154] {strides = array<i32>} : memref<200x128xi32, #tpu.memory_space<vmem>>, vector<1x16xi32>,
      %get3A_156 = vector.shape_cast %get3A_155 : vector<1x16xi32> to vector<16xi32>
      %gt3A_157 = arith.constant 0 : i32
      %gt3A_158 = vector.broadcast %gt3A_157 : i32 to vector<16xi32>
      %gt3A_159 = arith.cmpi sgt, %get3A_156, %gt3A_158 : vector<16xi32>
      %jit3A_160 = arith.constant 1.000000e+00 : f32
      %jit3A_161 = arith.constant 0.000000e+00 : f32
      %broadcast_in_dim3A_162 = vector.broadcast %jit3A_160 : f32 to vector<16xf32>
      %broadcast_in_dim3A_163 = vector.broadcast %jit3A_161 : f32 to vector<16xf32>
      %select_n3A_164 = arith.select %gt3A_159, %broadcast_in_dim3A_162, %broadcast_in_dim3A_163 : vector<16xi1>, vector<16xf32>
      %swap3A_165 = arith.constant 64 : index
      %swap3A_166 = tpu.vector_load %arg9[%swap3A_165] {strides = array<i32>} : memref<128xf32, #tpu.memory_space<vmem>>, vector<16xf32>,
      %swap3A_167 = vector.shape_cast %swap3A_166 : vector<16xf32> to vector<16xf32>
      %swap3A_168 = vector.shape_cast %select_n3A_164 : vector<16xf32> to vector<16xf32>
      tpu.vector_store %arg9[%swap3A_165], %swap3A_168 {add = true, strides = array<i32>} : memref<128xf32, #tpu.memory_space<vmem>>, vector<16xf32>,
      %get3A_169 = arith.index_cast %mul3A_62 : i32 to index
      %get3A_170 = arith.constant 80 : index
      %get3A_171 = tpu.vector_load %arg6[%get3A_169, %get3A_170] {strides = array<i32>} : memref<200x128xi32, #tpu.memory_space<vmem>>, vector<1x16xi32>,
      %get3A_172 = vector.shape_cast %get3A_171 : vector<1x16xi32> to vector<16xi32>
      %gt3A_173 = arith.constant 0 : i32
      %gt3A_174 = vector.broadcast %gt3A_173 : i32 to vector<16xi32>
      %gt3A_175 = arith.cmpi sgt, %get3A_172, %gt3A_174 : vector<16xi32>
      %jit3A_176 = arith.constant 1.000000e+00 : f32
      %jit3A_177 = arith.constant 0.000000e+00 : f32
      %broadcast_in_dim3A_178 = vector.broadcast %jit3A_176 : f32 to vector<16xf32>
      %broadcast_in_dim3A_179 = vector.broadcast %jit3A_177 : f32 to vector<16xf32>
      %select_n3A_180 = arith.select %gt3A_175, %broadcast_in_dim3A_178, %broadcast_in_dim3A_179 : vector<16xi1>, vector<16xf32>
      %swap3A_181 = arith.constant 80 : index
      %swap3A_182 = tpu.vector_load %arg9[%swap3A_181] {strides = array<i32>} : memref<128xf32, #tpu.memory_space<vmem>>, vector<16xf32>,
      %swap3A_183 = vector.shape_cast %swap3A_182 : vector<16xf32> to vector<16xf32>
      %swap3A_184 = vector.shape_cast %select_n3A_180 : vector<16xf32> to vector<16xf32>
      tpu.vector_store %arg9[%swap3A_181], %swap3A_184 {add = true, strides = array<i32>} : memref<128xf32, #tpu.memory_space<vmem>>, vector<16xf32>,
      %get3A_185 = arith.index_cast %mul3A_62 : i32 to index
      %get3A_186 = arith.constant 96 : index
      %get3A_187 = tpu.vector_load %arg6[%get3A_185, %get3A_186] {strides = array<i32>} : memref<200x128xi32, #tpu.memory_space<vmem>>, vector<1x16xi32>,
      %get3A_188 = vector.shape_cast %get3A_187 : vector<1x16xi32> to vector<16xi32>
      %gt3A_189 = arith.constant 0 : i32
      %gt3A_190 = vector.broadcast %gt3A_189 : i32 to vector<16xi32>
      %gt3A_191 = arith.cmpi sgt, %get3A_188, %gt3A_190 : vector<16xi32>
      %jit3A_192 = arith.constant 1.000000e+00 : f32
      %jit3A_193 = arith.constant 0.000000e+00 : f32
      %broadcast_in_dim3A_194 = vector.broadcast %jit3A_192 : f32 to vector<16xf32>
      %broadcast_in_dim3A_195 = vector.broadcast %jit3A_193 : f32 to vector<16xf32>
      %select_n3A_196 = arith.select %gt3A_191, %broadcast_in_dim3A_194, %broadcast_in_dim3A_195 : vector<16xi1>, vector<16xf32>
      %swap3A_197 = arith.constant 96 : index
      %swap3A_198 = tpu.vector_load %arg9[%swap3A_197] {strides = array<i32>} : memref<128xf32, #tpu.memory_space<vmem>>, vector<16xf32>,
      %swap3A_199 = vector.shape_cast %swap3A_198 : vector<16xf32> to vector<16xf32>
      %swap3A_200 = vector.shape_cast %select_n3A_196 : vector<16xf32> to vector<16xf32>
      tpu.vector_store %arg9[%swap3A_197], %swap3A_200 {add = true, strides = array<i32>} : memref<128xf32, #tpu.memory_space<vmem>>, vector<16xf32>,
      %get3A_201 = arith.index_cast %mul3A_62 : i32 to index
      %get3A_202 = arith.constant 112 : index
      %get3A_203 = tpu.vector_load %arg6[%get3A_201, %get3A_202] {strides = array<i32>} : memref<200x128xi32, #tpu.memory_space<vmem>>, vector<1x16xi32>,
      %get3A_204 = vector.shape_cast %get3A_203 : vector<1x16xi32> to vector<16xi32>
      %gt3A_205 = arith.constant 0 : i32
      %gt3A_206 = vector.broadcast %gt3A_205 : i32 to vector<16xi32>
      %gt3A_207 = arith.cmpi sgt, %get3A_204, %gt3A_206 : vector<16xi32>
      %jit3A_208 = arith.constant 1.000000e+00 : f32
      %jit3A_209 = arith.constant 0.000000e+00 : f32
      %broadcast_in_dim3A_210 = vector.broadcast %jit3A_208 : f32 to vector<16xf32>
      %broadcast_in_dim3A_211 = vector.broadcast %jit3A_209 : f32 to vector<16xf32>
      %select_n3A_212 = arith.select %gt3A_207, %broadcast_in_dim3A_210, %broadcast_in_dim3A_211 : vector<16xi1>, vector<16xf32>
      %swap3A_213 = arith.constant 112 : index
      %swap3A_214 = tpu.vector_load %arg9[%swap3A_213] {strides = array<i32>} : memref<128xf32, #tpu.memory_space<vmem>>, vector<16xf32>,
      %swap3A_215 = vector.shape_cast %swap3A_214 : vector<16xf32> to vector<16xf32>
      %swap3A_216 = vector.shape_cast %select_n3A_212 : vector<16xf32> to vector<16xf32>
      tpu.vector_store %arg9[%swap3A_213], %swap3A_216 {add = true, strides = array<i32>} : memref<128xf32, #tpu.memory_space<vmem>>, vector<16xf32>,
      %add3A_217 = arith.constant 2 : i32
      %add3A_218 = arith.addi %mul3A_62, %add3A_217 : i32
      %lt3A = arith.constant 200 : i32
      %lt3A_219 = arith.cmpi slt, %add3A_218, %lt3A : i32
      %convert_element_type3A = arith.extui %lt3A_219 : i1 to i32
      %cond3A = arith.constant 0 : i32
      %cond3A_220 = arith.cmpi ne, %convert_element_type3A, %cond3A : i32
      scf.if %cond3A_220 {
        %add3A_372 = arith.constant 2 : i32
        %add3A_373 = arith.addi %mul3A_62, %add3A_372 : i32
        %dma_start3A_374 = arith.constant 0 : i32
        %dma_start3A_375 = arith.constant 0 : i32
        %dma_start3A_376 = arith.constant 0 : i32
        %dma_start3A_377 = tpu.memref_slice %arg7[%dma_start3A_374, %dma_start3A_375, %dma_start3A_376] : memref<2x128x64xf32, #tpu.memory_space<vmem>> -> memref<1x128x64xf32, #tpu.memory_space<vmem>>
        %dma_start3A_378 = tpu.memref_squeeze %dma_start3A_377 : memref<1x128x64xf32, #tpu.memory_space<vmem>> -> memref<128x64xf32, #tpu.memory_space<vmem>>
        %dma_start3A_379 = arith.constant 0 : i32
        %dma_start3A_380 = tpu.memref_slice %arg6[%add3A_373, %dma_start3A_379] : memref<200x128xi32, #tpu.memory_space<vmem>> -> memref<1x128xi32, #tpu.memory_space<vmem>>
        %dma_start3A_381 = tpu.memref_squeeze %dma_start3A_380 : memref<1x128xi32, #tpu.memory_space<vmem>> -> memref<128xi32, #tpu.memory_space<vmem>>
        %dma_start3A_382 = arith.constant 0 : i32
        %dma_start3A_383 = arith.constant 0 : i32
        %dma_start3A_384 = tpu.memref_slice %arg3[%dma_start3A_382, %dma_start3A_383] : memref<1000001x64xf32, #tpu.memory_space<hbm>> -> memref<1000001x64xf32, #tpu.memory_space<hbm>>
        tpu.enqueue_indirect_dma source(%dma_start3A_384 : memref<1000001x64xf32, #tpu.memory_space<hbm>>) target(%dma_start3A_378 : memref<128x64xf32, #tpu.memory_space<vmem>>) offsets(%dma_start3A_381 : memref<128xi32, #tpu.memory_space<vmem>>) semaphore(%arg10 : memref<!tpu.dma_semaphore, #tpu.memory_space<semaphore_mem>>)
      } else {
      }
      %add3A_221 = arith.constant 1 : i32
      %add3A_222 = arith.addi %mul3A_62, %add3A_221 : i32
      %dma_wait3A_223 = arith.constant 1 : i32
      %dma_wait3A_224 = arith.constant 0 : i32
      %dma_wait3A_225 = arith.constant 0 : i32
      %dma_wait3A_226 = tpu.memref_slice %arg7[%dma_wait3A_223, %dma_wait3A_224, %dma_wait3A_225] : memref<2x128x64xf32, #tpu.memory_space<vmem>> -> memref<1x128x64xf32, #tpu.memory_space<vmem>>
      %dma_wait3A_227 = tpu.memref_squeeze %dma_wait3A_226 : memref<1x128x64xf32, #tpu.memory_space<vmem>> -> memref<128x64xf32, #tpu.memory_space<vmem>>
      %dma_wait3A_228 = arith.constant 0 : i32
      %dma_wait3A_229 = tpu.memref_slice %arg6[%add3A_222, %dma_wait3A_228] : memref<200x128xi32, #tpu.memory_space<vmem>> -> memref<1x128xi32, #tpu.memory_space<vmem>>
      %dma_wait3A_230 = tpu.memref_squeeze %dma_wait3A_229 : memref<1x128xi32, #tpu.memory_space<vmem>> -> memref<128xi32, #tpu.memory_space<vmem>>
      %dma_wait3A_231 = arith.constant 0 : i32
      %dma_wait3A_232 = arith.constant 0 : i32
      %dma_wait3A_233 = tpu.memref_slice %arg3[%dma_wait3A_231, %dma_wait3A_232] : memref<1000001x64xf32, #tpu.memory_space<hbm>> -> memref<1000001x64xf32, #tpu.memory_space<hbm>>
      tpu.wait_indirect_dma semaphore(%arg11 : memref<!tpu.dma_semaphore, #tpu.memory_space<semaphore_mem>>) src(%dma_wait3A_233 : memref<1000001x64xf32, #tpu.memory_space<hbm>>) dst(%dma_wait3A_227 : memref<128x64xf32, #tpu.memory_space<vmem>>)
      %add3A_234 = arith.constant 1 : i32
      %add3A_235 = arith.addi %mul3A_62, %add3A_234 : i32
      %scan3A_236 = arith.constant 0 : i32
      %scan3A_237 = arith.constant 0 : i32
      %scan3A_238 = arith.constant 128 : i32
      %scan3A_239 = arith.addi %scan3A_237, %scan3A_238 : i32
      %scan3A_240 = arith.constant 4 : i32
      %scan3A_241 = scf.for %scan3A_372 = %scan3A_237 to %scan3A_239 step %scan3A_240 iter_args(%scan3A_373 = %scan3A_236) -> (i32)  : i32 {
        %get3A_374 = arith.constant 1 : i32
        %get3A_375 = arith.index_cast %get3A_374 : i32 to index
        %get3A_376 = arith.index_cast %scan3A_372 : i32 to index
        %get3A_377 = arith.constant 0 : index
        %get3A_378 = tpu.vector_load %arg7[%get3A_375, %get3A_376, %get3A_377] {strides = array<i32>} : memref<2x128x64xf32, #tpu.memory_space<vmem>>, vector<1x1x16xf32>,
        %get3A_379 = vector.shape_cast %get3A_378 : vector<1x1x16xf32> to vector<16xf32>
        %swap3A_380 = arith.index_cast %scan3A_372 : i32 to index
        %swap3A_381 = arith.constant 0 : index
        %swap3A_382 = tpu.vector_load %arg8[%swap3A_380, %swap3A_381] {strides = array<i32>} : memref<128x64xf32, #tpu.memory_space<vmem>>, vector<1x16xf32>,
        %swap3A_383 = vector.shape_cast %swap3A_382 : vector<1x16xf32> to vector<16xf32>
        %swap3A_384 = vector.shape_cast %get3A_379 : vector<16xf32> to vector<1x16xf32>
        tpu.vector_store %arg8[%swap3A_380, %swap3A_381], %swap3A_384 {add = true, strides = array<i32>} : memref<128x64xf32, #tpu.memory_space<vmem>>, vector<1x16xf32>,
        %get3A_385 = arith.constant 1 : i32
        %get3A_386 = arith.index_cast %get3A_385 : i32 to index
        %get3A_387 = arith.index_cast %scan3A_372 : i32 to index
        %get3A_388 = arith.constant 16 : index
        %get3A_389 = tpu.vector_load %arg7[%get3A_386, %get3A_387, %get3A_388] {strides = array<i32>} : memref<2x128x64xf32, #tpu.memory_space<vmem>>, vector<1x1x16xf32>,
        %get3A_390 = vector.shape_cast %get3A_389 : vector<1x1x16xf32> to vector<16xf32>
        %swap3A_391 = arith.index_cast %scan3A_372 : i32 to index
        %swap3A_392 = arith.constant 16 : index
        %swap3A_393 = tpu.vector_load %arg8[%swap3A_391, %swap3A_392] {strides = array<i32>} : memref<128x64xf32, #tpu.memory_space<vmem>>, vector<1x16xf32>,
        %swap3A_394 = vector.shape_cast %swap3A_393 : vector<1x16xf32> to vector<16xf32>
        %swap3A_395 = vector.shape_cast %get3A_390 : vector<16xf32> to vector<1x16xf32>
        tpu.vector_store %arg8[%swap3A_391, %swap3A_392], %swap3A_395 {add = true, strides = array<i32>} : memref<128x64xf32, #tpu.memory_space<vmem>>, vector<1x16xf32>,
        %get3A_396 = arith.constant 1 : i32
        %get3A_397 = arith.index_cast %get3A_396 : i32 to index
        %get3A_398 = arith.index_cast %scan3A_372 : i32 to index
        %get3A_399 = arith.constant 32 : index
        %get3A_400 = tpu.vector_load %arg7[%get3A_397, %get3A_398, %get3A_399] {strides = array<i32>} : memref<2x128x64xf32, #tpu.memory_space<vmem>>, vector<1x1x16xf32>,
        %get3A_401 = vector.shape_cast %get3A_400 : vector<1x1x16xf32> to vector<16xf32>
        %swap3A_402 = arith.index_cast %scan3A_372 : i32 to index
        %swap3A_403 = arith.constant 32 : index
        %swap3A_404 = tpu.vector_load %arg8[%swap3A_402, %swap3A_403] {strides = array<i32>} : memref<128x64xf32, #tpu.memory_space<vmem>>, vector<1x16xf32>,
        %swap3A_405 = vector.shape_cast %swap3A_404 : vector<1x16xf32> to vector<16xf32>
        %swap3A_406 = vector.shape_cast %get3A_401 : vector<16xf32> to vector<1x16xf32>
        tpu.vector_store %arg8[%swap3A_402, %swap3A_403], %swap3A_406 {add = true, strides = array<i32>} : memref<128x64xf32, #tpu.memory_space<vmem>>, vector<1x16xf32>,
        %get3A_407 = arith.constant 1 : i32
        %get3A_408 = arith.index_cast %get3A_407 : i32 to index
        %get3A_409 = arith.index_cast %scan3A_372 : i32 to index
        %get3A_410 = arith.constant 48 : index
        %get3A_411 = tpu.vector_load %arg7[%get3A_408, %get3A_409, %get3A_410] {strides = array<i32>} : memref<2x128x64xf32, #tpu.memory_space<vmem>>, vector<1x1x16xf32>,
        %get3A_412 = vector.shape_cast %get3A_411 : vector<1x1x16xf32> to vector<16xf32>
        %swap3A_413 = arith.index_cast %scan3A_372 : i32 to index
        %swap3A_414 = arith.constant 48 : index
        %swap3A_415 = tpu.vector_load %arg8[%swap3A_413, %swap3A_414] {strides = array<i32>} : memref<128x64xf32, #tpu.memory_space<vmem>>, vector<1x16xf32>,
        %swap3A_416 = vector.shape_cast %swap3A_415 : vector<1x16xf32> to vector<16xf32>
        %swap3A_417 = vector.shape_cast %get3A_412 : vector<16xf32> to vector<1x16xf32>
        tpu.vector_store %arg8[%swap3A_413, %swap3A_414], %swap3A_417 {add = true, strides = array<i32>} : memref<128x64xf32, #tpu.memory_space<vmem>>, vector<1x16xf32>,
        %scan3A_418 = arith.constant 0 : i32
        %scan3A_419 = arith.constant 1 : i32
        %scan3A_420 = arith.addi %scan3A_372, %scan3A_419 : i32
        %get3A_421 = arith.constant 1 : i32
        %get3A_422 = arith.index_cast %get3A_421 : i32 to index
        %get3A_423 = arith.index_cast %scan3A_420 : i32 to index
        %get3A_424 = arith.constant 0 : index
        %get3A_425 = tpu.vector_load %arg7[%get3A_422, %get3A_423, %get3A_424] {strides = array<i32>} : memref<2x128x64xf32, #tpu.memory_space<vmem>>, vector<1x1x16xf32>,
        %get3A_426 = vector.shape_cast %get3A_425 : vector<1x1x16xf32> to vector<16xf32>
        %swap3A_427 = arith.index_cast %scan3A_420 : i32 to index
        %swap3A_428 = arith.constant 0 : index
        %swap3A_429 = tpu.vector_load %arg8[%swap3A_427, %swap3A_428] {strides = array<i32>} : memref<128x64xf32, #tpu.memory_space<vmem>>, vector<1x16xf32>,
        %swap3A_430 = vector.shape_cast %swap3A_429 : vector<1x16xf32> to vector<16xf32>
        %swap3A_431 = vector.shape_cast %get3A_426 : vector<16xf32> to vector<1x16xf32>
        tpu.vector_store %arg8[%swap3A_427, %swap3A_428], %swap3A_431 {add = true, strides = array<i32>} : memref<128x64xf32, #tpu.memory_space<vmem>>, vector<1x16xf32>,
        %get3A_432 = arith.constant 1 : i32
        %get3A_433 = arith.index_cast %get3A_432 : i32 to index
        %get3A_434 = arith.index_cast %scan3A_420 : i32 to index
        %get3A_435 = arith.constant 16 : index
        %get3A_436 = tpu.vector_load %arg7[%get3A_433, %get3A_434, %get3A_435] {strides = array<i32>} : memref<2x128x64xf32, #tpu.memory_space<vmem>>, vector<1x1x16xf32>,
        %get3A_437 = vector.shape_cast %get3A_436 : vector<1x1x16xf32> to vector<16xf32>
        %swap3A_438 = arith.index_cast %scan3A_420 : i32 to index
        %swap3A_439 = arith.constant 16 : index
        %swap3A_440 = tpu.vector_load %arg8[%swap3A_438, %swap3A_439] {strides = array<i32>} : memref<128x64xf32, #tpu.memory_space<vmem>>, vector<1x16xf32>,
        %swap3A_441 = vector.shape_cast %swap3A_440 : vector<1x16xf32> to vector<16xf32>
        %swap3A_442 = vector.shape_cast %get3A_437 : vector<16xf32> to vector<1x16xf32>
        tpu.vector_store %arg8[%swap3A_438, %swap3A_439], %swap3A_442 {add = true, strides = array<i32>} : memref<128x64xf32, #tpu.memory_space<vmem>>, vector<1x16xf32>,
        %get3A_443 = arith.constant 1 : i32
        %get3A_444 = arith.index_cast %get3A_443 : i32 to index
        %get3A_445 = arith.index_cast %scan3A_420 : i32 to index
        %get3A_446 = arith.constant 32 : index
        %get3A_447 = tpu.vector_load %arg7[%get3A_444, %get3A_445, %get3A_446] {strides = array<i32>} : memref<2x128x64xf32, #tpu.memory_space<vmem>>, vector<1x1x16xf32>,
        %get3A_448 = vector.shape_cast %get3A_447 : vector<1x1x16xf32> to vector<16xf32>
        %swap3A_449 = arith.index_cast %scan3A_420 : i32 to index
        %swap3A_450 = arith.constant 32 : index
        %swap3A_451 = tpu.vector_load %arg8[%swap3A_449, %swap3A_450] {strides = array<i32>} : memref<128x64xf32, #tpu.memory_space<vmem>>, vector<1x16xf32>,
        %swap3A_452 = vector.shape_cast %swap3A_451 : vector<1x16xf32> to vector<16xf32>
        %swap3A_453 = vector.shape_cast %get3A_448 : vector<16xf32> to vector<1x16xf32>
        tpu.vector_store %arg8[%swap3A_449, %swap3A_450], %swap3A_453 {add = true, strides = array<i32>} : memref<128x64xf32, #tpu.memory_space<vmem>>, vector<1x16xf32>,
        %get3A_454 = arith.constant 1 : i32
        %get3A_455 = arith.index_cast %get3A_454 : i32 to index
        %get3A_456 = arith.index_cast %scan3A_420 : i32 to index
        %get3A_457 = arith.constant 48 : index
        %get3A_458 = tpu.vector_load %arg7[%get3A_455, %get3A_456, %get3A_457] {strides = array<i32>} : memref<2x128x64xf32, #tpu.memory_space<vmem>>, vector<1x1x16xf32>,
        %get3A_459 = vector.shape_cast %get3A_458 : vector<1x1x16xf32> to vector<16xf32>
        %swap3A_460 = arith.index_cast %scan3A_420 : i32 to index
        %swap3A_461 = arith.constant 48 : index
        %swap3A_462 = tpu.vector_load %arg8[%swap3A_460, %swap3A_461] {strides = array<i32>} : memref<128x64xf32, #tpu.memory_space<vmem>>, vector<1x16xf32>,
        %swap3A_463 = vector.shape_cast %swap3A_462 : vector<1x16xf32> to vector<16xf32>
        %swap3A_464 = vector.shape_cast %get3A_459 : vector<16xf32> to vector<1x16xf32>
        tpu.vector_store %arg8[%swap3A_460, %swap3A_461], %swap3A_464 {add = true, strides = array<i32>} : memref<128x64xf32, #tpu.memory_space<vmem>>, vector<1x16xf32>,
        %scan3A_465 = arith.constant 0 : i32
        %scan3A_466 = arith.constant 2 : i32
        %scan3A_467 = arith.addi %scan3A_372, %scan3A_466 : i32
        %get3A_468 = arith.constant 1 : i32
        %get3A_469 = arith.index_cast %get3A_468 : i32 to index
        %get3A_470 = arith.index_cast %scan3A_467 : i32 to index
        %get3A_471 = arith.constant 0 : index
        %get3A_472 = tpu.vector_load %arg7[%get3A_469, %get3A_470, %get3A_471] {strides = array<i32>} : memref<2x128x64xf32, #tpu.memory_space<vmem>>, vector<1x1x16xf32>,
        %get3A_473 = vector.shape_cast %get3A_472 : vector<1x1x16xf32> to vector<16xf32>
        %swap3A_474 = arith.index_cast %scan3A_467 : i32 to index
        %swap3A_475 = arith.constant 0 : index
        %swap3A_476 = tpu.vector_load %arg8[%swap3A_474, %swap3A_475] {strides = array<i32>} : memref<128x64xf32, #tpu.memory_space<vmem>>, vector<1x16xf32>,
        %swap3A_477 = vector.shape_cast %swap3A_476 : vector<1x16xf32> to vector<16xf32>
        %swap3A_478 = vector.shape_cast %get3A_473 : vector<16xf32> to vector<1x16xf32>
        tpu.vector_store %arg8[%swap3A_474, %swap3A_475], %swap3A_478 {add = true, strides = array<i32>} : memref<128x64xf32, #tpu.memory_space<vmem>>, vector<1x16xf32>,
        %get3A_479 = arith.constant 1 : i32
        %get3A_480 = arith.index_cast %get3A_479 : i32 to index
        %get3A_481 = arith.index_cast %scan3A_467 : i32 to index
        %get3A_482 = arith.constant 16 : index
        %get3A_483 = tpu.vector_load %arg7[%get3A_480, %get3A_481, %get3A_482] {strides = array<i32>} : memref<2x128x64xf32, #tpu.memory_space<vmem>>, vector<1x1x16xf32>,
        %get3A_484 = vector.shape_cast %get3A_483 : vector<1x1x16xf32> to vector<16xf32>
        %swap3A_485 = arith.index_cast %scan3A_467 : i32 to index
        %swap3A_486 = arith.constant 16 : index
        %swap3A_487 = tpu.vector_load %arg8[%swap3A_485, %swap3A_486] {strides = array<i32>} : memref<128x64xf32, #tpu.memory_space<vmem>>, vector<1x16xf32>,
        %swap3A_488 = vector.shape_cast %swap3A_487 : vector<1x16xf32> to vector<16xf32>
        %swap3A_489 = vector.shape_cast %get3A_484 : vector<16xf32> to vector<1x16xf32>
        tpu.vector_store %arg8[%swap3A_485, %swap3A_486], %swap3A_489 {add = true, strides = array<i32>} : memref<128x64xf32, #tpu.memory_space<vmem>>, vector<1x16xf32>,
        %get3A_490 = arith.constant 1 : i32
        %get3A_491 = arith.index_cast %get3A_490 : i32 to index
        %get3A_492 = arith.index_cast %scan3A_467 : i32 to index
        %get3A_493 = arith.constant 32 : index
        %get3A_494 = tpu.vector_load %arg7[%get3A_491, %get3A_492, %get3A_493] {strides = array<i32>} : memref<2x128x64xf32, #tpu.memory_space<vmem>>, vector<1x1x16xf32>,
        %get3A_495 = vector.shape_cast %get3A_494 : vector<1x1x16xf32> to vector<16xf32>
        %swap3A_496 = arith.index_cast %scan3A_467 : i32 to index
        %swap3A_497 = arith.constant 32 : index
        %swap3A_498 = tpu.vector_load %arg8[%swap3A_496, %swap3A_497] {strides = array<i32>} : memref<128x64xf32, #tpu.memory_space<vmem>>, vector<1x16xf32>,
        %swap3A_499 = vector.shape_cast %swap3A_498 : vector<1x16xf32> to vector<16xf32>
        %swap3A_500 = vector.shape_cast %get3A_495 : vector<16xf32> to vector<1x16xf32>
        tpu.vector_store %arg8[%swap3A_496, %swap3A_497], %swap3A_500 {add = true, strides = array<i32>} : memref<128x64xf32, #tpu.memory_space<vmem>>, vector<1x16xf32>,
        %get3A_501 = arith.constant 1 : i32
        %get3A_502 = arith.index_cast %get3A_501 : i32 to index
        %get3A_503 = arith.index_cast %scan3A_467 : i32 to index
        %get3A_504 = arith.constant 48 : index
        %get3A_505 = tpu.vector_load %arg7[%get3A_502, %get3A_503, %get3A_504] {strides = array<i32>} : memref<2x128x64xf32, #tpu.memory_space<vmem>>, vector<1x1x16xf32>,
        %get3A_506 = vector.shape_cast %get3A_505 : vector<1x1x16xf32> to vector<16xf32>
        %swap3A_507 = arith.index_cast %scan3A_467 : i32 to index
        %swap3A_508 = arith.constant 48 : index
        %swap3A_509 = tpu.vector_load %arg8[%swap3A_507, %swap3A_508] {strides = array<i32>} : memref<128x64xf32, #tpu.memory_space<vmem>>, vector<1x16xf32>,
        %swap3A_510 = vector.shape_cast %swap3A_509 : vector<1x16xf32> to vector<16xf32>
        %swap3A_511 = vector.shape_cast %get3A_506 : vector<16xf32> to vector<1x16xf32>
        tpu.vector_store %arg8[%swap3A_507, %swap3A_508], %swap3A_511 {add = true, strides = array<i32>} : memref<128x64xf32, #tpu.memory_space<vmem>>, vector<1x16xf32>,
        %scan3A_512 = arith.constant 0 : i32
        %scan3A_513 = arith.constant 3 : i32
        %scan3A_514 = arith.addi %scan3A_372, %scan3A_513 : i32
        %get3A_515 = arith.constant 1 : i32
        %get3A_516 = arith.index_cast %get3A_515 : i32 to index
        %get3A_517 = arith.index_cast %scan3A_514 : i32 to index
        %get3A_518 = arith.constant 0 : index
        %get3A_519 = tpu.vector_load %arg7[%get3A_516, %get3A_517, %get3A_518] {strides = array<i32>} : memref<2x128x64xf32, #tpu.memory_space<vmem>>, vector<1x1x16xf32>,
        %get3A_520 = vector.shape_cast %get3A_519 : vector<1x1x16xf32> to vector<16xf32>
        %swap3A_521 = arith.index_cast %scan3A_514 : i32 to index
        %swap3A_522 = arith.constant 0 : index
        %swap3A_523 = tpu.vector_load %arg8[%swap3A_521, %swap3A_522] {strides = array<i32>} : memref<128x64xf32, #tpu.memory_space<vmem>>, vector<1x16xf32>,
        %swap3A_524 = vector.shape_cast %swap3A_523 : vector<1x16xf32> to vector<16xf32>
        %swap3A_525 = vector.shape_cast %get3A_520 : vector<16xf32> to vector<1x16xf32>
        tpu.vector_store %arg8[%swap3A_521, %swap3A_522], %swap3A_525 {add = true, strides = array<i32>} : memref<128x64xf32, #tpu.memory_space<vmem>>, vector<1x16xf32>,
        %get3A_526 = arith.constant 1 : i32
        %get3A_527 = arith.index_cast %get3A_526 : i32 to index
        %get3A_528 = arith.index_cast %scan3A_514 : i32 to index
        %get3A_529 = arith.constant 16 : index
        %get3A_530 = tpu.vector_load %arg7[%get3A_527, %get3A_528, %get3A_529] {strides = array<i32>} : memref<2x128x64xf32, #tpu.memory_space<vmem>>, vector<1x1x16xf32>,
        %get3A_531 = vector.shape_cast %get3A_530 : vector<1x1x16xf32> to vector<16xf32>
        %swap3A_532 = arith.index_cast %scan3A_514 : i32 to index
        %swap3A_533 = arith.constant 16 : index
        %swap3A_534 = tpu.vector_load %arg8[%swap3A_532, %swap3A_533] {strides = array<i32>} : memref<128x64xf32, #tpu.memory_space<vmem>>, vector<1x16xf32>,
        %swap3A_535 = vector.shape_cast %swap3A_534 : vector<1x16xf32> to vector<16xf32>
        %swap3A_536 = vector.shape_cast %get3A_531 : vector<16xf32> to vector<1x16xf32>
        tpu.vector_store %arg8[%swap3A_532, %swap3A_533], %swap3A_536 {add = true, strides = array<i32>} : memref<128x64xf32, #tpu.memory_space<vmem>>, vector<1x16xf32>,
        %get3A_537 = arith.constant 1 : i32
        %get3A_538 = arith.index_cast %get3A_537 : i32 to index
        %get3A_539 = arith.index_cast %scan3A_514 : i32 to index
        %get3A_540 = arith.constant 32 : index
        %get3A_541 = tpu.vector_load %arg7[%get3A_538, %get3A_539, %get3A_540] {strides = array<i32>} : memref<2x128x64xf32, #tpu.memory_space<vmem>>, vector<1x1x16xf32>,
        %get3A_542 = vector.shape_cast %get3A_541 : vector<1x1x16xf32> to vector<16xf32>
        %swap3A_543 = arith.index_cast %scan3A_514 : i32 to index
        %swap3A_544 = arith.constant 32 : index
        %swap3A_545 = tpu.vector_load %arg8[%swap3A_543, %swap3A_544] {strides = array<i32>} : memref<128x64xf32, #tpu.memory_space<vmem>>, vector<1x16xf32>,
        %swap3A_546 = vector.shape_cast %swap3A_545 : vector<1x16xf32> to vector<16xf32>
        %swap3A_547 = vector.shape_cast %get3A_542 : vector<16xf32> to vector<1x16xf32>
        tpu.vector_store %arg8[%swap3A_543, %swap3A_544], %swap3A_547 {add = true, strides = array<i32>} : memref<128x64xf32, #tpu.memory_space<vmem>>, vector<1x16xf32>,
        %get3A_548 = arith.constant 1 : i32
        %get3A_549 = arith.index_cast %get3A_548 : i32 to index
        %get3A_550 = arith.index_cast %scan3A_514 : i32 to index
        %get3A_551 = arith.constant 48 : index
        %get3A_552 = tpu.vector_load %arg7[%get3A_549, %get3A_550, %get3A_551] {strides = array<i32>} : memref<2x128x64xf32, #tpu.memory_space<vmem>>, vector<1x1x16xf32>,
        %get3A_553 = vector.shape_cast %get3A_552 : vector<1x1x16xf32> to vector<16xf32>
        %swap3A_554 = arith.index_cast %scan3A_514 : i32 to index
        %swap3A_555 = arith.constant 48 : index
        %swap3A_556 = tpu.vector_load %arg8[%swap3A_554, %swap3A_555] {strides = array<i32>} : memref<128x64xf32, #tpu.memory_space<vmem>>, vector<1x16xf32>,
        %swap3A_557 = vector.shape_cast %swap3A_556 : vector<1x16xf32> to vector<16xf32>
        %swap3A_558 = vector.shape_cast %get3A_553 : vector<16xf32> to vector<1x16xf32>
        tpu.vector_store %arg8[%swap3A_554, %swap3A_555], %swap3A_558 {add = true, strides = array<i32>} : memref<128x64xf32, #tpu.memory_space<vmem>>, vector<1x16xf32>,
        %scan3A_559 = arith.constant 0 : i32
        scf.yield %scan3A_559 : i32
      }
      %scan3A_242 = arith.constant 128 : i32
      %get3A_243 = arith.index_cast %add3A_235 : i32 to index
      %get3A_244 = arith.constant 0 : index
      %get3A_245 = tpu.vector_load %arg6[%get3A_243, %get3A_244] {strides = array<i32>} : memref<200x128xi32, #tpu.memory_space<vmem>>, vector<1x16xi32>,
      %get3A_246 = vector.shape_cast %get3A_245 : vector<1x16xi32> to vector<16xi32>
      %gt3A_247 = arith.constant 0 : i32
      %gt3A_248 = vector.broadcast %gt3A_247 : i32 to vector<16xi32>
      %gt3A_249 = arith.cmpi sgt, %get3A_246, %gt3A_248 : vector<16xi32>
      %jit3A_250 = arith.constant 1.000000e+00 : f32
      %jit3A_251 = arith.constant 0.000000e+00 : f32
      %broadcast_in_dim3A_252 = vector.broadcast %jit3A_250 : f32 to vector<16xf32>
      %broadcast_in_dim3A_253 = vector.broadcast %jit3A_251 : f32 to vector<16xf32>
      %select_n3A_254 = arith.select %gt3A_249, %broadcast_in_dim3A_252, %broadcast_in_dim3A_253 : vector<16xi1>, vector<16xf32>
      %swap3A_255 = arith.constant 0 : index
      %swap3A_256 = tpu.vector_load %arg9[%swap3A_255] {strides = array<i32>} : memref<128xf32, #tpu.memory_space<vmem>>, vector<16xf32>,
      %swap3A_257 = vector.shape_cast %swap3A_256 : vector<16xf32> to vector<16xf32>
      %swap3A_258 = vector.shape_cast %select_n3A_254 : vector<16xf32> to vector<16xf32>
      tpu.vector_store %arg9[%swap3A_255], %swap3A_258 {add = true, strides = array<i32>} : memref<128xf32, #tpu.memory_space<vmem>>, vector<16xf32>,
      %get3A_259 = arith.index_cast %add3A_235 : i32 to index
      %get3A_260 = arith.constant 16 : index
      %get3A_261 = tpu.vector_load %arg6[%get3A_259, %get3A_260] {strides = array<i32>} : memref<200x128xi32, #tpu.memory_space<vmem>>, vector<1x16xi32>,
      %get3A_262 = vector.shape_cast %get3A_261 : vector<1x16xi32> to vector<16xi32>
      %gt3A_263 = arith.constant 0 : i32
      %gt3A_264 = vector.broadcast %gt3A_263 : i32 to vector<16xi32>
      %gt3A_265 = arith.cmpi sgt, %get3A_262, %gt3A_264 : vector<16xi32>
      %jit3A_266 = arith.constant 1.000000e+00 : f32
      %jit3A_267 = arith.constant 0.000000e+00 : f32
      %broadcast_in_dim3A_268 = vector.broadcast %jit3A_266 : f32 to vector<16xf32>
      %broadcast_in_dim3A_269 = vector.broadcast %jit3A_267 : f32 to vector<16xf32>
      %select_n3A_270 = arith.select %gt3A_265, %broadcast_in_dim3A_268, %broadcast_in_dim3A_269 : vector<16xi1>, vector<16xf32>
      %swap3A_271 = arith.constant 16 : index
      %swap3A_272 = tpu.vector_load %arg9[%swap3A_271] {strides = array<i32>} : memref<128xf32, #tpu.memory_space<vmem>>, vector<16xf32>,
      %swap3A_273 = vector.shape_cast %swap3A_272 : vector<16xf32> to vector<16xf32>
      %swap3A_274 = vector.shape_cast %select_n3A_270 : vector<16xf32> to vector<16xf32>
      tpu.vector_store %arg9[%swap3A_271], %swap3A_274 {add = true, strides = array<i32>} : memref<128xf32, #tpu.memory_space<vmem>>, vector<16xf32>,
      %get3A_275 = arith.index_cast %add3A_235 : i32 to index
      %get3A_276 = arith.constant 32 : index
      %get3A_277 = tpu.vector_load %arg6[%get3A_275, %get3A_276] {strides = array<i32>} : memref<200x128xi32, #tpu.memory_space<vmem>>, vector<1x16xi32>,
      %get3A_278 = vector.shape_cast %get3A_277 : vector<1x16xi32> to vector<16xi32>
      %gt3A_279 = arith.constant 0 : i32
      %gt3A_280 = vector.broadcast %gt3A_279 : i32 to vector<16xi32>
      %gt3A_281 = arith.cmpi sgt, %get3A_278, %gt3A_280 : vector<16xi32>
      %jit3A_282 = arith.constant 1.000000e+00 : f32
      %jit3A_283 = arith.constant 0.000000e+00 : f32
      %broadcast_in_dim3A_284 = vector.broadcast %jit3A_282 : f32 to vector<16xf32>
      %broadcast_in_dim3A_285 = vector.broadcast %jit3A_283 : f32 to vector<16xf32>
      %select_n3A_286 = arith.select %gt3A_281, %broadcast_in_dim3A_284, %broadcast_in_dim3A_285 : vector<16xi1>, vector<16xf32>
      %swap3A_287 = arith.constant 32 : index
      %swap3A_288 = tpu.vector_load %arg9[%swap3A_287] {strides = array<i32>} : memref<128xf32, #tpu.memory_space<vmem>>, vector<16xf32>,
      %swap3A_289 = vector.shape_cast %swap3A_288 : vector<16xf32> to vector<16xf32>
      %swap3A_290 = vector.shape_cast %select_n3A_286 : vector<16xf32> to vector<16xf32>
      tpu.vector_store %arg9[%swap3A_287], %swap3A_290 {add = true, strides = array<i32>} : memref<128xf32, #tpu.memory_space<vmem>>, vector<16xf32>,
      %get3A_291 = arith.index_cast %add3A_235 : i32 to index
      %get3A_292 = arith.constant 48 : index
      %get3A_293 = tpu.vector_load %arg6[%get3A_291, %get3A_292] {strides = array<i32>} : memref<200x128xi32, #tpu.memory_space<vmem>>, vector<1x16xi32>,
      %get3A_294 = vector.shape_cast %get3A_293 : vector<1x16xi32> to vector<16xi32>
      %gt3A_295 = arith.constant 0 : i32
      %gt3A_296 = vector.broadcast %gt3A_295 : i32 to vector<16xi32>
      %gt3A_297 = arith.cmpi sgt, %get3A_294, %gt3A_296 : vector<16xi32>
      %jit3A_298 = arith.constant 1.000000e+00 : f32
      %jit3A_299 = arith.constant 0.000000e+00 : f32
      %broadcast_in_dim3A_300 = vector.broadcast %jit3A_298 : f32 to vector<16xf32>
      %broadcast_in_dim3A_301 = vector.broadcast %jit3A_299 : f32 to vector<16xf32>
      %select_n3A_302 = arith.select %gt3A_297, %broadcast_in_dim3A_300, %broadcast_in_dim3A_301 : vector<16xi1>, vector<16xf32>
      %swap3A_303 = arith.constant 48 : index
      %swap3A_304 = tpu.vector_load %arg9[%swap3A_303] {strides = array<i32>} : memref<128xf32, #tpu.memory_space<vmem>>, vector<16xf32>,
      %swap3A_305 = vector.shape_cast %swap3A_304 : vector<16xf32> to vector<16xf32>
      %swap3A_306 = vector.shape_cast %select_n3A_302 : vector<16xf32> to vector<16xf32>
      tpu.vector_store %arg9[%swap3A_303], %swap3A_306 {add = true, strides = array<i32>} : memref<128xf32, #tpu.memory_space<vmem>>, vector<16xf32>,
      %get3A_307 = arith.index_cast %add3A_235 : i32 to index
      %get3A_308 = arith.constant 64 : index
      %get3A_309 = tpu.vector_load %arg6[%get3A_307, %get3A_308] {strides = array<i32>} : memref<200x128xi32, #tpu.memory_space<vmem>>, vector<1x16xi32>,
      %get3A_310 = vector.shape_cast %get3A_309 : vector<1x16xi32> to vector<16xi32>
      %gt3A_311 = arith.constant 0 : i32
      %gt3A_312 = vector.broadcast %gt3A_311 : i32 to vector<16xi32>
      %gt3A_313 = arith.cmpi sgt, %get3A_310, %gt3A_312 : vector<16xi32>
      %jit3A_314 = arith.constant 1.000000e+00 : f32
      %jit3A_315 = arith.constant 0.000000e+00 : f32
      %broadcast_in_dim3A_316 = vector.broadcast %jit3A_314 : f32 to vector<16xf32>
      %broadcast_in_dim3A_317 = vector.broadcast %jit3A_315 : f32 to vector<16xf32>
      %select_n3A_318 = arith.select %gt3A_313, %broadcast_in_dim3A_316, %broadcast_in_dim3A_317 : vector<16xi1>, vector<16xf32>
      %swap3A_319 = arith.constant 64 : index
      %swap3A_320 = tpu.vector_load %arg9[%swap3A_319] {strides = array<i32>} : memref<128xf32, #tpu.memory_space<vmem>>, vector<16xf32>,
      %swap3A_321 = vector.shape_cast %swap3A_320 : vector<16xf32> to vector<16xf32>
      %swap3A_322 = vector.shape_cast %select_n3A_318 : vector<16xf32> to vector<16xf32>
      tpu.vector_store %arg9[%swap3A_319], %swap3A_322 {add = true, strides = array<i32>} : memref<128xf32, #tpu.memory_space<vmem>>, vector<16xf32>,
      %get3A_323 = arith.index_cast %add3A_235 : i32 to index
      %get3A_324 = arith.constant 80 : index
      %get3A_325 = tpu.vector_load %arg6[%get3A_323, %get3A_324] {strides = array<i32>} : memref<200x128xi32, #tpu.memory_space<vmem>>, vector<1x16xi32>,
      %get3A_326 = vector.shape_cast %get3A_325 : vector<1x16xi32> to vector<16xi32>
      %gt3A_327 = arith.constant 0 : i32
      %gt3A_328 = vector.broadcast %gt3A_327 : i32 to vector<16xi32>
      %gt3A_329 = arith.cmpi sgt, %get3A_326, %gt3A_328 : vector<16xi32>
      %jit3A_330 = arith.constant 1.000000e+00 : f32
      %jit3A_331 = arith.constant 0.000000e+00 : f32
      %broadcast_in_dim3A_332 = vector.broadcast %jit3A_330 : f32 to vector<16xf32>
      %broadcast_in_dim3A_333 = vector.broadcast %jit3A_331 : f32 to vector<16xf32>
      %select_n3A_334 = arith.select %gt3A_329, %broadcast_in_dim3A_332, %broadcast_in_dim3A_333 : vector<16xi1>, vector<16xf32>
      %swap3A_335 = arith.constant 80 : index
      %swap3A_336 = tpu.vector_load %arg9[%swap3A_335] {strides = array<i32>} : memref<128xf32, #tpu.memory_space<vmem>>, vector<16xf32>,
      %swap3A_337 = vector.shape_cast %swap3A_336 : vector<16xf32> to vector<16xf32>
      %swap3A_338 = vector.shape_cast %select_n3A_334 : vector<16xf32> to vector<16xf32>
      tpu.vector_store %arg9[%swap3A_335], %swap3A_338 {add = true, strides = array<i32>} : memref<128xf32, #tpu.memory_space<vmem>>, vector<16xf32>,
      %get3A_339 = arith.index_cast %add3A_235 : i32 to index
      %get3A_340 = arith.constant 96 : index
      %get3A_341 = tpu.vector_load %arg6[%get3A_339, %get3A_340] {strides = array<i32>} : memref<200x128xi32, #tpu.memory_space<vmem>>, vector<1x16xi32>,
      %get3A_342 = vector.shape_cast %get3A_341 : vector<1x16xi32> to vector<16xi32>
      %gt3A_343 = arith.constant 0 : i32
      %gt3A_344 = vector.broadcast %gt3A_343 : i32 to vector<16xi32>
      %gt3A_345 = arith.cmpi sgt, %get3A_342, %gt3A_344 : vector<16xi32>
      %jit3A_346 = arith.constant 1.000000e+00 : f32
      %jit3A_347 = arith.constant 0.000000e+00 : f32
      %broadcast_in_dim3A_348 = vector.broadcast %jit3A_346 : f32 to vector<16xf32>
      %broadcast_in_dim3A_349 = vector.broadcast %jit3A_347 : f32 to vector<16xf32>
      %select_n3A_350 = arith.select %gt3A_345, %broadcast_in_dim3A_348, %broadcast_in_dim3A_349 : vector<16xi1>, vector<16xf32>
      %swap3A_351 = arith.constant 96 : index
      %swap3A_352 = tpu.vector_load %arg9[%swap3A_351] {strides = array<i32>} : memref<128xf32, #tpu.memory_space<vmem>>, vector<16xf32>,
      %swap3A_353 = vector.shape_cast %swap3A_352 : vector<16xf32> to vector<16xf32>
      %swap3A_354 = vector.shape_cast %select_n3A_350 : vector<16xf32> to vector<16xf32>
      tpu.vector_store %arg9[%swap3A_351], %swap3A_354 {add = true, strides = array<i32>} : memref<128xf32, #tpu.memory_space<vmem>>, vector<16xf32>,
      %get3A_355 = arith.index_cast %add3A_235 : i32 to index
      %get3A_356 = arith.constant 112 : index
      %get3A_357 = tpu.vector_load %arg6[%get3A_355, %get3A_356] {strides = array<i32>} : memref<200x128xi32, #tpu.memory_space<vmem>>, vector<1x16xi32>,
      %get3A_358 = vector.shape_cast %get3A_357 : vector<1x16xi32> to vector<16xi32>
      %gt3A_359 = arith.constant 0 : i32
      %gt3A_360 = vector.broadcast %gt3A_359 : i32 to vector<16xi32>
      %gt3A_361 = arith.cmpi sgt, %get3A_358, %gt3A_360 : vector<16xi32>
      %jit3A_362 = arith.constant 1.000000e+00 : f32
      %jit3A_363 = arith.constant 0.000000e+00 : f32
      %broadcast_in_dim3A_364 = vector.broadcast %jit3A_362 : f32 to vector<16xf32>
      %broadcast_in_dim3A_365 = vector.broadcast %jit3A_363 : f32 to vector<16xf32>
      %select_n3A_366 = arith.select %gt3A_361, %broadcast_in_dim3A_364, %broadcast_in_dim3A_365 : vector<16xi1>, vector<16xf32>
      %swap3A_367 = arith.constant 112 : index
      %swap3A_368 = tpu.vector_load %arg9[%swap3A_367] {strides = array<i32>} : memref<128xf32, #tpu.memory_space<vmem>>, vector<16xf32>,
      %swap3A_369 = vector.shape_cast %swap3A_368 : vector<16xf32> to vector<16xf32>
      %swap3A_370 = vector.shape_cast %select_n3A_366 : vector<16xf32> to vector<16xf32>
      tpu.vector_store %arg9[%swap3A_367], %swap3A_370 {add = true, strides = array<i32>} : memref<128xf32, #tpu.memory_space<vmem>>, vector<16xf32>,
      %scan3A_371 = arith.constant 0 : i32
      scf.yield %scan3A_371 : i32
    }
    %scan3A_58 = arith.constant 100 : i32
    "tpu.region"() ({
      %run_scoped3A = tpu.sem_alloc : memref<!tpu.dma_semaphore, #tpu.memory_space<semaphore_mem>>
      %dma_start3A_59 = arith.constant 0 : i32
      %dma_start3A_60 = tpu.memref_slice %arg4[%mul3A_2, %dma_start3A_59] : memref<4096x64xf32, #tpu.memory_space<hbm>> -> memref<128x64xf32, #tpu.memory_space<hbm>>
      %dma_start3A_61 = arith.constant 0 : i32
      %dma_start3A_62 = tpu.memref_slice %arg4[%mul3A_2, %dma_start3A_61] : memref<4096x64xf32, #tpu.memory_space<hbm>> -> memref<128x64xf32, #tpu.memory_space<hbm>>
      tpu.enqueue_dma source(%arg8 : memref<128x64xf32, #tpu.memory_space<vmem>>) target(%dma_start3A_62 : memref<128x64xf32, #tpu.memory_space<hbm>>) target_semaphore(%run_scoped3A : memref<!tpu.dma_semaphore, #tpu.memory_space<semaphore_mem>>)
      %dma_wait3A = arith.constant 0 : i32
      %dma_wait3A_63 = tpu.memref_slice %arg4[%mul3A_2, %dma_wait3A] : memref<4096x64xf32, #tpu.memory_space<hbm>> -> memref<128x64xf32, #tpu.memory_space<hbm>>
      %dma_wait3A_64 = arith.constant 0 : i32
      %dma_wait3A_65 = tpu.memref_slice %arg4[%mul3A_2, %dma_wait3A_64] : memref<4096x64xf32, #tpu.memory_space<hbm>> -> memref<128x64xf32, #tpu.memory_space<hbm>>
      tpu.wait_dma2 semaphore(%run_scoped3A : memref<!tpu.dma_semaphore, #tpu.memory_space<semaphore_mem>>) src(%arg8 : memref<128x64xf32, #tpu.memory_space<vmem>>) dst(%dma_wait3A_65 : memref<128x64xf32, #tpu.memory_space<hbm>>)
      tpu.yield
    }) : () -> ()
    "tpu.region"() ({
      %run_scoped3A = tpu.sem_alloc : memref<!tpu.dma_semaphore, #tpu.memory_space<semaphore_mem>>
      %dma_start3A_59 = tpu.memref_slice %arg5[%mul3A_2] : memref<4096xf32, #tpu.memory_space<hbm>> -> memref<128xf32, #tpu.memory_space<hbm>>
      %dma_start3A_60 = tpu.memref_slice %arg5[%mul3A_2] : memref<4096xf32, #tpu.memory_space<hbm>> -> memref<128xf32, #tpu.memory_space<hbm>>
      tpu.enqueue_dma source(%arg9 : memref<128xf32, #tpu.memory_space<vmem>>) target(%dma_start3A_60 : memref<128xf32, #tpu.memory_space<hbm>>) target_semaphore(%run_scoped3A : memref<!tpu.dma_semaphore, #tpu.memory_space<semaphore_mem>>)
      %dma_wait3A = tpu.memref_slice %arg5[%mul3A_2] : memref<4096xf32, #tpu.memory_space<hbm>> -> memref<128xf32, #tpu.memory_space<hbm>>
      %dma_wait3A_61 = tpu.memref_slice %arg5[%mul3A_2] : memref<4096xf32, #tpu.memory_space<hbm>> -> memref<128xf32, #tpu.memory_space<hbm>>
      tpu.wait_dma2 semaphore(%run_scoped3A : memref<!tpu.dma_semaphore, #tpu.memory_space<semaphore_mem>>) src(%arg9 : memref<128xf32, #tpu.memory_space<vmem>>) dst(%dma_wait3A_61 : memref<128xf32, #tpu.memory_space<hbm>>)
      tpu.yield
    }) : () -> ()
    return
  }
}

module attributes {stable_mosaic.version = 14 : i64} {
  func.func @body(%arg0: i32, %arg1: memref<4096xi32, #tpu.memory_space<smem>>, %arg2: memref<1000000x64xf32, #tpu.memory_space<any>>, %arg3: memref<4096x64xf32, #tpu.memory_space<vmem>>, %arg4: memref<!tpu.dma_semaphore, #tpu.memory_space<semaphore_mem>>) attributes {dimension_semantics = [#tpu.dimension_semantics<arbitrary>], iteration_bounds = array<i64: 1>, scalar_prefetch = 1 : i64, scratch_operands = 1 : i64, tpu.core_type = #tpu.core_type<tc>, window_params = [{}, {pipeline_mode = #tpu.pipeline_mode<synchronous>, transform_indices = @transform_1, window_bounds = array<i64: 4096, 64>}]} {
    %scan3A = arith.constant 0 : i32
    %scan3A_0 = arith.constant 512 : i32
    %scan3A_1 = arith.addi %scan3A, %scan3A_0 : i32
    %scan3A_2 = arith.constant 4 : i32
    scf.for %scan3A_6 = %scan3A to %scan3A_1 step %scan3A_2  : i32 {
      %mul3A = arith.constant 8 : i32
      %mul3A_7 = arith.muli %scan3A_6, %mul3A : i32
      %add3A = arith.constant 0 : i32
      %add3A_8 = arith.addi %mul3A_7, %add3A : i32
      %get3A = arith.index_cast %add3A_8 : i32 to index
      %get3A_9 = memref.load %arg1[%get3A] : memref<4096xi32, #tpu.memory_space<smem>>
      %dma_start3A = arith.constant 0 : i32
      %dma_start3A_10 = tpu.memref_slice %arg3[%add3A_8, %dma_start3A] : memref<4096x64xf32, #tpu.memory_space<vmem>> -> memref<1x64xf32, #tpu.memory_space<vmem>>
      %dma_start3A_11 = tpu.memref_squeeze %dma_start3A_10 : memref<1x64xf32, #tpu.memory_space<vmem>> -> memref<64xf32, #tpu.memory_space<vmem>>
      %dma_start3A_12 = arith.constant 0 : i32
      %dma_start3A_13 = tpu.memref_slice %arg2[%get3A_9, %dma_start3A_12] : memref<1000000x64xf32, #tpu.memory_space<any>> -> memref<1x64xf32, #tpu.memory_space<any>>
      %dma_start3A_14 = tpu.memref_squeeze %dma_start3A_13 : memref<1x64xf32, #tpu.memory_space<any>> -> memref<64xf32, #tpu.memory_space<any>>
      tpu.enqueue_dma source(%dma_start3A_14 : memref<64xf32, #tpu.memory_space<any>>) target(%dma_start3A_11 : memref<64xf32, #tpu.memory_space<vmem>>) target_semaphore(%arg4 : memref<!tpu.dma_semaphore, #tpu.memory_space<semaphore_mem>>)
      %mul3A_15 = arith.constant 8 : i32
      %mul3A_16 = arith.muli %scan3A_6, %mul3A_15 : i32
      %add3A_17 = arith.constant 1 : i32
      %add3A_18 = arith.addi %mul3A_16, %add3A_17 : i32
      %get3A_19 = arith.index_cast %add3A_18 : i32 to index
      %get3A_20 = memref.load %arg1[%get3A_19] : memref<4096xi32, #tpu.memory_space<smem>>
      %dma_start3A_21 = arith.constant 0 : i32
      %dma_start3A_22 = tpu.memref_slice %arg3[%add3A_18, %dma_start3A_21] : memref<4096x64xf32, #tpu.memory_space<vmem>> -> memref<1x64xf32, #tpu.memory_space<vmem>>
      %dma_start3A_23 = tpu.memref_squeeze %dma_start3A_22 : memref<1x64xf32, #tpu.memory_space<vmem>> -> memref<64xf32, #tpu.memory_space<vmem>>
      %dma_start3A_24 = arith.constant 0 : i32
      %dma_start3A_25 = tpu.memref_slice %arg2[%get3A_20, %dma_start3A_24] : memref<1000000x64xf32, #tpu.memory_space<any>> -> memref<1x64xf32, #tpu.memory_space<any>>
      %dma_start3A_26 = tpu.memref_squeeze %dma_start3A_25 : memref<1x64xf32, #tpu.memory_space<any>> -> memref<64xf32, #tpu.memory_space<any>>
      tpu.enqueue_dma source(%dma_start3A_26 : memref<64xf32, #tpu.memory_space<any>>) target(%dma_start3A_23 : memref<64xf32, #tpu.memory_space<vmem>>) target_semaphore(%arg4 : memref<!tpu.dma_semaphore, #tpu.memory_space<semaphore_mem>>)
      %mul3A_27 = arith.constant 8 : i32
      %mul3A_28 = arith.muli %scan3A_6, %mul3A_27 : i32
      %add3A_29 = arith.constant 2 : i32
      %add3A_30 = arith.addi %mul3A_28, %add3A_29 : i32
      %get3A_31 = arith.index_cast %add3A_30 : i32 to index
      %get3A_32 = memref.load %arg1[%get3A_31] : memref<4096xi32, #tpu.memory_space<smem>>
      %dma_start3A_33 = arith.constant 0 : i32
      %dma_start3A_34 = tpu.memref_slice %arg3[%add3A_30, %dma_start3A_33] : memref<4096x64xf32, #tpu.memory_space<vmem>> -> memref<1x64xf32, #tpu.memory_space<vmem>>
      %dma_start3A_35 = tpu.memref_squeeze %dma_start3A_34 : memref<1x64xf32, #tpu.memory_space<vmem>> -> memref<64xf32, #tpu.memory_space<vmem>>
      %dma_start3A_36 = arith.constant 0 : i32
      %dma_start3A_37 = tpu.memref_slice %arg2[%get3A_32, %dma_start3A_36] : memref<1000000x64xf32, #tpu.memory_space<any>> -> memref<1x64xf32, #tpu.memory_space<any>>
      %dma_start3A_38 = tpu.memref_squeeze %dma_start3A_37 : memref<1x64xf32, #tpu.memory_space<any>> -> memref<64xf32, #tpu.memory_space<any>>
      tpu.enqueue_dma source(%dma_start3A_38 : memref<64xf32, #tpu.memory_space<any>>) target(%dma_start3A_35 : memref<64xf32, #tpu.memory_space<vmem>>) target_semaphore(%arg4 : memref<!tpu.dma_semaphore, #tpu.memory_space<semaphore_mem>>)
      %mul3A_39 = arith.constant 8 : i32
      %mul3A_40 = arith.muli %scan3A_6, %mul3A_39 : i32
      %add3A_41 = arith.constant 3 : i32
      %add3A_42 = arith.addi %mul3A_40, %add3A_41 : i32
      %get3A_43 = arith.index_cast %add3A_42 : i32 to index
      %get3A_44 = memref.load %arg1[%get3A_43] : memref<4096xi32, #tpu.memory_space<smem>>
      %dma_start3A_45 = arith.constant 0 : i32
      %dma_start3A_46 = tpu.memref_slice %arg3[%add3A_42, %dma_start3A_45] : memref<4096x64xf32, #tpu.memory_space<vmem>> -> memref<1x64xf32, #tpu.memory_space<vmem>>
      %dma_start3A_47 = tpu.memref_squeeze %dma_start3A_46 : memref<1x64xf32, #tpu.memory_space<vmem>> -> memref<64xf32, #tpu.memory_space<vmem>>
      %dma_start3A_48 = arith.constant 0 : i32
      %dma_start3A_49 = tpu.memref_slice %arg2[%get3A_44, %dma_start3A_48] : memref<1000000x64xf32, #tpu.memory_space<any>> -> memref<1x64xf32, #tpu.memory_space<any>>
      %dma_start3A_50 = tpu.memref_squeeze %dma_start3A_49 : memref<1x64xf32, #tpu.memory_space<any>> -> memref<64xf32, #tpu.memory_space<any>>
      tpu.enqueue_dma source(%dma_start3A_50 : memref<64xf32, #tpu.memory_space<any>>) target(%dma_start3A_47 : memref<64xf32, #tpu.memory_space<vmem>>) target_semaphore(%arg4 : memref<!tpu.dma_semaphore, #tpu.memory_space<semaphore_mem>>)
      %mul3A_51 = arith.constant 8 : i32
      %mul3A_52 = arith.muli %scan3A_6, %mul3A_51 : i32
      %add3A_53 = arith.constant 4 : i32
      %add3A_54 = arith.addi %mul3A_52, %add3A_53 : i32
      %get3A_55 = arith.index_cast %add3A_54 : i32 to index
      %get3A_56 = memref.load %arg1[%get3A_55] : memref<4096xi32, #tpu.memory_space<smem>>
      %dma_start3A_57 = arith.constant 0 : i32
      %dma_start3A_58 = tpu.memref_slice %arg3[%add3A_54, %dma_start3A_57] : memref<4096x64xf32, #tpu.memory_space<vmem>> -> memref<1x64xf32, #tpu.memory_space<vmem>>
      %dma_start3A_59 = tpu.memref_squeeze %dma_start3A_58 : memref<1x64xf32, #tpu.memory_space<vmem>> -> memref<64xf32, #tpu.memory_space<vmem>>
      %dma_start3A_60 = arith.constant 0 : i32
      %dma_start3A_61 = tpu.memref_slice %arg2[%get3A_56, %dma_start3A_60] : memref<1000000x64xf32, #tpu.memory_space<any>> -> memref<1x64xf32, #tpu.memory_space<any>>
      %dma_start3A_62 = tpu.memref_squeeze %dma_start3A_61 : memref<1x64xf32, #tpu.memory_space<any>> -> memref<64xf32, #tpu.memory_space<any>>
      tpu.enqueue_dma source(%dma_start3A_62 : memref<64xf32, #tpu.memory_space<any>>) target(%dma_start3A_59 : memref<64xf32, #tpu.memory_space<vmem>>) target_semaphore(%arg4 : memref<!tpu.dma_semaphore, #tpu.memory_space<semaphore_mem>>)
      %mul3A_63 = arith.constant 8 : i32
      %mul3A_64 = arith.muli %scan3A_6, %mul3A_63 : i32
      %add3A_65 = arith.constant 5 : i32
      %add3A_66 = arith.addi %mul3A_64, %add3A_65 : i32
      %get3A_67 = arith.index_cast %add3A_66 : i32 to index
      %get3A_68 = memref.load %arg1[%get3A_67] : memref<4096xi32, #tpu.memory_space<smem>>
      %dma_start3A_69 = arith.constant 0 : i32
      %dma_start3A_70 = tpu.memref_slice %arg3[%add3A_66, %dma_start3A_69] : memref<4096x64xf32, #tpu.memory_space<vmem>> -> memref<1x64xf32, #tpu.memory_space<vmem>>
      %dma_start3A_71 = tpu.memref_squeeze %dma_start3A_70 : memref<1x64xf32, #tpu.memory_space<vmem>> -> memref<64xf32, #tpu.memory_space<vmem>>
      %dma_start3A_72 = arith.constant 0 : i32
      %dma_start3A_73 = tpu.memref_slice %arg2[%get3A_68, %dma_start3A_72] : memref<1000000x64xf32, #tpu.memory_space<any>> -> memref<1x64xf32, #tpu.memory_space<any>>
      %dma_start3A_74 = tpu.memref_squeeze %dma_start3A_73 : memref<1x64xf32, #tpu.memory_space<any>> -> memref<64xf32, #tpu.memory_space<any>>
      tpu.enqueue_dma source(%dma_start3A_74 : memref<64xf32, #tpu.memory_space<any>>) target(%dma_start3A_71 : memref<64xf32, #tpu.memory_space<vmem>>) target_semaphore(%arg4 : memref<!tpu.dma_semaphore, #tpu.memory_space<semaphore_mem>>)
      %mul3A_75 = arith.constant 8 : i32
      %mul3A_76 = arith.muli %scan3A_6, %mul3A_75 : i32
      %add3A_77 = arith.constant 6 : i32
      %add3A_78 = arith.addi %mul3A_76, %add3A_77 : i32
      %get3A_79 = arith.index_cast %add3A_78 : i32 to index
      %get3A_80 = memref.load %arg1[%get3A_79] : memref<4096xi32, #tpu.memory_space<smem>>
      %dma_start3A_81 = arith.constant 0 : i32
      %dma_start3A_82 = tpu.memref_slice %arg3[%add3A_78, %dma_start3A_81] : memref<4096x64xf32, #tpu.memory_space<vmem>> -> memref<1x64xf32, #tpu.memory_space<vmem>>
      %dma_start3A_83 = tpu.memref_squeeze %dma_start3A_82 : memref<1x64xf32, #tpu.memory_space<vmem>> -> memref<64xf32, #tpu.memory_space<vmem>>
      %dma_start3A_84 = arith.constant 0 : i32
      %dma_start3A_85 = tpu.memref_slice %arg2[%get3A_80, %dma_start3A_84] : memref<1000000x64xf32, #tpu.memory_space<any>> -> memref<1x64xf32, #tpu.memory_space<any>>
      %dma_start3A_86 = tpu.memref_squeeze %dma_start3A_85 : memref<1x64xf32, #tpu.memory_space<any>> -> memref<64xf32, #tpu.memory_space<any>>
      tpu.enqueue_dma source(%dma_start3A_86 : memref<64xf32, #tpu.memory_space<any>>) target(%dma_start3A_83 : memref<64xf32, #tpu.memory_space<vmem>>) target_semaphore(%arg4 : memref<!tpu.dma_semaphore, #tpu.memory_space<semaphore_mem>>)
      %mul3A_87 = arith.constant 8 : i32
      %mul3A_88 = arith.muli %scan3A_6, %mul3A_87 : i32
      %add3A_89 = arith.constant 7 : i32
      %add3A_90 = arith.addi %mul3A_88, %add3A_89 : i32
      %get3A_91 = arith.index_cast %add3A_90 : i32 to index
      %get3A_92 = memref.load %arg1[%get3A_91] : memref<4096xi32, #tpu.memory_space<smem>>
      %dma_start3A_93 = arith.constant 0 : i32
      %dma_start3A_94 = tpu.memref_slice %arg3[%add3A_90, %dma_start3A_93] : memref<4096x64xf32, #tpu.memory_space<vmem>> -> memref<1x64xf32, #tpu.memory_space<vmem>>
      %dma_start3A_95 = tpu.memref_squeeze %dma_start3A_94 : memref<1x64xf32, #tpu.memory_space<vmem>> -> memref<64xf32, #tpu.memory_space<vmem>>
      %dma_start3A_96 = arith.constant 0 : i32
      %dma_start3A_97 = tpu.memref_slice %arg2[%get3A_92, %dma_start3A_96] : memref<1000000x64xf32, #tpu.memory_space<any>> -> memref<1x64xf32, #tpu.memory_space<any>>
      %dma_start3A_98 = tpu.memref_squeeze %dma_start3A_97 : memref<1x64xf32, #tpu.memory_space<any>> -> memref<64xf32, #tpu.memory_space<any>>
      tpu.enqueue_dma source(%dma_start3A_98 : memref<64xf32, #tpu.memory_space<any>>) target(%dma_start3A_95 : memref<64xf32, #tpu.memory_space<vmem>>) target_semaphore(%arg4 : memref<!tpu.dma_semaphore, #tpu.memory_space<semaphore_mem>>)
      %scan3A_99 = arith.constant 1 : i32
      %scan3A_100 = arith.addi %scan3A_6, %scan3A_99 : i32
      %mul3A_101 = arith.constant 8 : i32
      %mul3A_102 = arith.muli %scan3A_100, %mul3A_101 : i32
      %add3A_103 = arith.constant 0 : i32
      %add3A_104 = arith.addi %mul3A_102, %add3A_103 : i32
      %get3A_105 = arith.index_cast %add3A_104 : i32 to index
      %get3A_106 = memref.load %arg1[%get3A_105] : memref<4096xi32, #tpu.memory_space<smem>>
      %dma_start3A_107 = arith.constant 0 : i32
      %dma_start3A_108 = tpu.memref_slice %arg3[%add3A_104, %dma_start3A_107] : memref<4096x64xf32, #tpu.memory_space<vmem>> -> memref<1x64xf32, #tpu.memory_space<vmem>>
      %dma_start3A_109 = tpu.memref_squeeze %dma_start3A_108 : memref<1x64xf32, #tpu.memory_space<vmem>> -> memref<64xf32, #tpu.memory_space<vmem>>
      %dma_start3A_110 = arith.constant 0 : i32
      %dma_start3A_111 = tpu.memref_slice %arg2[%get3A_106, %dma_start3A_110] : memref<1000000x64xf32, #tpu.memory_space<any>> -> memref<1x64xf32, #tpu.memory_space<any>>
      %dma_start3A_112 = tpu.memref_squeeze %dma_start3A_111 : memref<1x64xf32, #tpu.memory_space<any>> -> memref<64xf32, #tpu.memory_space<any>>
      tpu.enqueue_dma source(%dma_start3A_112 : memref<64xf32, #tpu.memory_space<any>>) target(%dma_start3A_109 : memref<64xf32, #tpu.memory_space<vmem>>) target_semaphore(%arg4 : memref<!tpu.dma_semaphore, #tpu.memory_space<semaphore_mem>>)
      %mul3A_113 = arith.constant 8 : i32
      %mul3A_114 = arith.muli %scan3A_100, %mul3A_113 : i32
      %add3A_115 = arith.constant 1 : i32
      %add3A_116 = arith.addi %mul3A_114, %add3A_115 : i32
      %get3A_117 = arith.index_cast %add3A_116 : i32 to index
      %get3A_118 = memref.load %arg1[%get3A_117] : memref<4096xi32, #tpu.memory_space<smem>>
      %dma_start3A_119 = arith.constant 0 : i32
      %dma_start3A_120 = tpu.memref_slice %arg3[%add3A_116, %dma_start3A_119] : memref<4096x64xf32, #tpu.memory_space<vmem>> -> memref<1x64xf32, #tpu.memory_space<vmem>>
      %dma_start3A_121 = tpu.memref_squeeze %dma_start3A_120 : memref<1x64xf32, #tpu.memory_space<vmem>> -> memref<64xf32, #tpu.memory_space<vmem>>
      %dma_start3A_122 = arith.constant 0 : i32
      %dma_start3A_123 = tpu.memref_slice %arg2[%get3A_118, %dma_start3A_122] : memref<1000000x64xf32, #tpu.memory_space<any>> -> memref<1x64xf32, #tpu.memory_space<any>>
      %dma_start3A_124 = tpu.memref_squeeze %dma_start3A_123 : memref<1x64xf32, #tpu.memory_space<any>> -> memref<64xf32, #tpu.memory_space<any>>
      tpu.enqueue_dma source(%dma_start3A_124 : memref<64xf32, #tpu.memory_space<any>>) target(%dma_start3A_121 : memref<64xf32, #tpu.memory_space<vmem>>) target_semaphore(%arg4 : memref<!tpu.dma_semaphore, #tpu.memory_space<semaphore_mem>>)
      %mul3A_125 = arith.constant 8 : i32
      %mul3A_126 = arith.muli %scan3A_100, %mul3A_125 : i32
      %add3A_127 = arith.constant 2 : i32
      %add3A_128 = arith.addi %mul3A_126, %add3A_127 : i32
      %get3A_129 = arith.index_cast %add3A_128 : i32 to index
      %get3A_130 = memref.load %arg1[%get3A_129] : memref<4096xi32, #tpu.memory_space<smem>>
      %dma_start3A_131 = arith.constant 0 : i32
      %dma_start3A_132 = tpu.memref_slice %arg3[%add3A_128, %dma_start3A_131] : memref<4096x64xf32, #tpu.memory_space<vmem>> -> memref<1x64xf32, #tpu.memory_space<vmem>>
      %dma_start3A_133 = tpu.memref_squeeze %dma_start3A_132 : memref<1x64xf32, #tpu.memory_space<vmem>> -> memref<64xf32, #tpu.memory_space<vmem>>
      %dma_start3A_134 = arith.constant 0 : i32
      %dma_start3A_135 = tpu.memref_slice %arg2[%get3A_130, %dma_start3A_134] : memref<1000000x64xf32, #tpu.memory_space<any>> -> memref<1x64xf32, #tpu.memory_space<any>>
      %dma_start3A_136 = tpu.memref_squeeze %dma_start3A_135 : memref<1x64xf32, #tpu.memory_space<any>> -> memref<64xf32, #tpu.memory_space<any>>
      tpu.enqueue_dma source(%dma_start3A_136 : memref<64xf32, #tpu.memory_space<any>>) target(%dma_start3A_133 : memref<64xf32, #tpu.memory_space<vmem>>) target_semaphore(%arg4 : memref<!tpu.dma_semaphore, #tpu.memory_space<semaphore_mem>>)
      %mul3A_137 = arith.constant 8 : i32
      %mul3A_138 = arith.muli %scan3A_100, %mul3A_137 : i32
      %add3A_139 = arith.constant 3 : i32
      %add3A_140 = arith.addi %mul3A_138, %add3A_139 : i32
      %get3A_141 = arith.index_cast %add3A_140 : i32 to index
      %get3A_142 = memref.load %arg1[%get3A_141] : memref<4096xi32, #tpu.memory_space<smem>>
      %dma_start3A_143 = arith.constant 0 : i32
      %dma_start3A_144 = tpu.memref_slice %arg3[%add3A_140, %dma_start3A_143] : memref<4096x64xf32, #tpu.memory_space<vmem>> -> memref<1x64xf32, #tpu.memory_space<vmem>>
      %dma_start3A_145 = tpu.memref_squeeze %dma_start3A_144 : memref<1x64xf32, #tpu.memory_space<vmem>> -> memref<64xf32, #tpu.memory_space<vmem>>
      %dma_start3A_146 = arith.constant 0 : i32
      %dma_start3A_147 = tpu.memref_slice %arg2[%get3A_142, %dma_start3A_146] : memref<1000000x64xf32, #tpu.memory_space<any>> -> memref<1x64xf32, #tpu.memory_space<any>>
      %dma_start3A_148 = tpu.memref_squeeze %dma_start3A_147 : memref<1x64xf32, #tpu.memory_space<any>> -> memref<64xf32, #tpu.memory_space<any>>
      tpu.enqueue_dma source(%dma_start3A_148 : memref<64xf32, #tpu.memory_space<any>>) target(%dma_start3A_145 : memref<64xf32, #tpu.memory_space<vmem>>) target_semaphore(%arg4 : memref<!tpu.dma_semaphore, #tpu.memory_space<semaphore_mem>>)
      %mul3A_149 = arith.constant 8 : i32
      %mul3A_150 = arith.muli %scan3A_100, %mul3A_149 : i32
      %add3A_151 = arith.constant 4 : i32
      %add3A_152 = arith.addi %mul3A_150, %add3A_151 : i32
      %get3A_153 = arith.index_cast %add3A_152 : i32 to index
      %get3A_154 = memref.load %arg1[%get3A_153] : memref<4096xi32, #tpu.memory_space<smem>>
      %dma_start3A_155 = arith.constant 0 : i32
      %dma_start3A_156 = tpu.memref_slice %arg3[%add3A_152, %dma_start3A_155] : memref<4096x64xf32, #tpu.memory_space<vmem>> -> memref<1x64xf32, #tpu.memory_space<vmem>>
      %dma_start3A_157 = tpu.memref_squeeze %dma_start3A_156 : memref<1x64xf32, #tpu.memory_space<vmem>> -> memref<64xf32, #tpu.memory_space<vmem>>
      %dma_start3A_158 = arith.constant 0 : i32
      %dma_start3A_159 = tpu.memref_slice %arg2[%get3A_154, %dma_start3A_158] : memref<1000000x64xf32, #tpu.memory_space<any>> -> memref<1x64xf32, #tpu.memory_space<any>>
      %dma_start3A_160 = tpu.memref_squeeze %dma_start3A_159 : memref<1x64xf32, #tpu.memory_space<any>> -> memref<64xf32, #tpu.memory_space<any>>
      tpu.enqueue_dma source(%dma_start3A_160 : memref<64xf32, #tpu.memory_space<any>>) target(%dma_start3A_157 : memref<64xf32, #tpu.memory_space<vmem>>) target_semaphore(%arg4 : memref<!tpu.dma_semaphore, #tpu.memory_space<semaphore_mem>>)
      %mul3A_161 = arith.constant 8 : i32
      %mul3A_162 = arith.muli %scan3A_100, %mul3A_161 : i32
      %add3A_163 = arith.constant 5 : i32
      %add3A_164 = arith.addi %mul3A_162, %add3A_163 : i32
      %get3A_165 = arith.index_cast %add3A_164 : i32 to index
      %get3A_166 = memref.load %arg1[%get3A_165] : memref<4096xi32, #tpu.memory_space<smem>>
      %dma_start3A_167 = arith.constant 0 : i32
      %dma_start3A_168 = tpu.memref_slice %arg3[%add3A_164, %dma_start3A_167] : memref<4096x64xf32, #tpu.memory_space<vmem>> -> memref<1x64xf32, #tpu.memory_space<vmem>>
      %dma_start3A_169 = tpu.memref_squeeze %dma_start3A_168 : memref<1x64xf32, #tpu.memory_space<vmem>> -> memref<64xf32, #tpu.memory_space<vmem>>
      %dma_start3A_170 = arith.constant 0 : i32
      %dma_start3A_171 = tpu.memref_slice %arg2[%get3A_166, %dma_start3A_170] : memref<1000000x64xf32, #tpu.memory_space<any>> -> memref<1x64xf32, #tpu.memory_space<any>>
      %dma_start3A_172 = tpu.memref_squeeze %dma_start3A_171 : memref<1x64xf32, #tpu.memory_space<any>> -> memref<64xf32, #tpu.memory_space<any>>
      tpu.enqueue_dma source(%dma_start3A_172 : memref<64xf32, #tpu.memory_space<any>>) target(%dma_start3A_169 : memref<64xf32, #tpu.memory_space<vmem>>) target_semaphore(%arg4 : memref<!tpu.dma_semaphore, #tpu.memory_space<semaphore_mem>>)
      %mul3A_173 = arith.constant 8 : i32
      %mul3A_174 = arith.muli %scan3A_100, %mul3A_173 : i32
      %add3A_175 = arith.constant 6 : i32
      %add3A_176 = arith.addi %mul3A_174, %add3A_175 : i32
      %get3A_177 = arith.index_cast %add3A_176 : i32 to index
      %get3A_178 = memref.load %arg1[%get3A_177] : memref<4096xi32, #tpu.memory_space<smem>>
      %dma_start3A_179 = arith.constant 0 : i32
      %dma_start3A_180 = tpu.memref_slice %arg3[%add3A_176, %dma_start3A_179] : memref<4096x64xf32, #tpu.memory_space<vmem>> -> memref<1x64xf32, #tpu.memory_space<vmem>>
      %dma_start3A_181 = tpu.memref_squeeze %dma_start3A_180 : memref<1x64xf32, #tpu.memory_space<vmem>> -> memref<64xf32, #tpu.memory_space<vmem>>
      %dma_start3A_182 = arith.constant 0 : i32
      %dma_start3A_183 = tpu.memref_slice %arg2[%get3A_178, %dma_start3A_182] : memref<1000000x64xf32, #tpu.memory_space<any>> -> memref<1x64xf32, #tpu.memory_space<any>>
      %dma_start3A_184 = tpu.memref_squeeze %dma_start3A_183 : memref<1x64xf32, #tpu.memory_space<any>> -> memref<64xf32, #tpu.memory_space<any>>
      tpu.enqueue_dma source(%dma_start3A_184 : memref<64xf32, #tpu.memory_space<any>>) target(%dma_start3A_181 : memref<64xf32, #tpu.memory_space<vmem>>) target_semaphore(%arg4 : memref<!tpu.dma_semaphore, #tpu.memory_space<semaphore_mem>>)
      %mul3A_185 = arith.constant 8 : i32
      %mul3A_186 = arith.muli %scan3A_100, %mul3A_185 : i32
      %add3A_187 = arith.constant 7 : i32
      %add3A_188 = arith.addi %mul3A_186, %add3A_187 : i32
      %get3A_189 = arith.index_cast %add3A_188 : i32 to index
      %get3A_190 = memref.load %arg1[%get3A_189] : memref<4096xi32, #tpu.memory_space<smem>>
      %dma_start3A_191 = arith.constant 0 : i32
      %dma_start3A_192 = tpu.memref_slice %arg3[%add3A_188, %dma_start3A_191] : memref<4096x64xf32, #tpu.memory_space<vmem>> -> memref<1x64xf32, #tpu.memory_space<vmem>>
      %dma_start3A_193 = tpu.memref_squeeze %dma_start3A_192 : memref<1x64xf32, #tpu.memory_space<vmem>> -> memref<64xf32, #tpu.memory_space<vmem>>
      %dma_start3A_194 = arith.constant 0 : i32
      %dma_start3A_195 = tpu.memref_slice %arg2[%get3A_190, %dma_start3A_194] : memref<1000000x64xf32, #tpu.memory_space<any>> -> memref<1x64xf32, #tpu.memory_space<any>>
      %dma_start3A_196 = tpu.memref_squeeze %dma_start3A_195 : memref<1x64xf32, #tpu.memory_space<any>> -> memref<64xf32, #tpu.memory_space<any>>
      tpu.enqueue_dma source(%dma_start3A_196 : memref<64xf32, #tpu.memory_space<any>>) target(%dma_start3A_193 : memref<64xf32, #tpu.memory_space<vmem>>) target_semaphore(%arg4 : memref<!tpu.dma_semaphore, #tpu.memory_space<semaphore_mem>>)
      %scan3A_197 = arith.constant 2 : i32
      %scan3A_198 = arith.addi %scan3A_6, %scan3A_197 : i32
      %mul3A_199 = arith.constant 8 : i32
      %mul3A_200 = arith.muli %scan3A_198, %mul3A_199 : i32
      %add3A_201 = arith.constant 0 : i32
      %add3A_202 = arith.addi %mul3A_200, %add3A_201 : i32
      %get3A_203 = arith.index_cast %add3A_202 : i32 to index
      %get3A_204 = memref.load %arg1[%get3A_203] : memref<4096xi32, #tpu.memory_space<smem>>
      %dma_start3A_205 = arith.constant 0 : i32
      %dma_start3A_206 = tpu.memref_slice %arg3[%add3A_202, %dma_start3A_205] : memref<4096x64xf32, #tpu.memory_space<vmem>> -> memref<1x64xf32, #tpu.memory_space<vmem>>
      %dma_start3A_207 = tpu.memref_squeeze %dma_start3A_206 : memref<1x64xf32, #tpu.memory_space<vmem>> -> memref<64xf32, #tpu.memory_space<vmem>>
      %dma_start3A_208 = arith.constant 0 : i32
      %dma_start3A_209 = tpu.memref_slice %arg2[%get3A_204, %dma_start3A_208] : memref<1000000x64xf32, #tpu.memory_space<any>> -> memref<1x64xf32, #tpu.memory_space<any>>
      %dma_start3A_210 = tpu.memref_squeeze %dma_start3A_209 : memref<1x64xf32, #tpu.memory_space<any>> -> memref<64xf32, #tpu.memory_space<any>>
      tpu.enqueue_dma source(%dma_start3A_210 : memref<64xf32, #tpu.memory_space<any>>) target(%dma_start3A_207 : memref<64xf32, #tpu.memory_space<vmem>>) target_semaphore(%arg4 : memref<!tpu.dma_semaphore, #tpu.memory_space<semaphore_mem>>)
      %mul3A_211 = arith.constant 8 : i32
      %mul3A_212 = arith.muli %scan3A_198, %mul3A_211 : i32
      %add3A_213 = arith.constant 1 : i32
      %add3A_214 = arith.addi %mul3A_212, %add3A_213 : i32
      %get3A_215 = arith.index_cast %add3A_214 : i32 to index
      %get3A_216 = memref.load %arg1[%get3A_215] : memref<4096xi32, #tpu.memory_space<smem>>
      %dma_start3A_217 = arith.constant 0 : i32
      %dma_start3A_218 = tpu.memref_slice %arg3[%add3A_214, %dma_start3A_217] : memref<4096x64xf32, #tpu.memory_space<vmem>> -> memref<1x64xf32, #tpu.memory_space<vmem>>
      %dma_start3A_219 = tpu.memref_squeeze %dma_start3A_218 : memref<1x64xf32, #tpu.memory_space<vmem>> -> memref<64xf32, #tpu.memory_space<vmem>>
      %dma_start3A_220 = arith.constant 0 : i32
      %dma_start3A_221 = tpu.memref_slice %arg2[%get3A_216, %dma_start3A_220] : memref<1000000x64xf32, #tpu.memory_space<any>> -> memref<1x64xf32, #tpu.memory_space<any>>
      %dma_start3A_222 = tpu.memref_squeeze %dma_start3A_221 : memref<1x64xf32, #tpu.memory_space<any>> -> memref<64xf32, #tpu.memory_space<any>>
      tpu.enqueue_dma source(%dma_start3A_222 : memref<64xf32, #tpu.memory_space<any>>) target(%dma_start3A_219 : memref<64xf32, #tpu.memory_space<vmem>>) target_semaphore(%arg4 : memref<!tpu.dma_semaphore, #tpu.memory_space<semaphore_mem>>)
      %mul3A_223 = arith.constant 8 : i32
      %mul3A_224 = arith.muli %scan3A_198, %mul3A_223 : i32
      %add3A_225 = arith.constant 2 : i32
      %add3A_226 = arith.addi %mul3A_224, %add3A_225 : i32
      %get3A_227 = arith.index_cast %add3A_226 : i32 to index
      %get3A_228 = memref.load %arg1[%get3A_227] : memref<4096xi32, #tpu.memory_space<smem>>
      %dma_start3A_229 = arith.constant 0 : i32
      %dma_start3A_230 = tpu.memref_slice %arg3[%add3A_226, %dma_start3A_229] : memref<4096x64xf32, #tpu.memory_space<vmem>> -> memref<1x64xf32, #tpu.memory_space<vmem>>
      %dma_start3A_231 = tpu.memref_squeeze %dma_start3A_230 : memref<1x64xf32, #tpu.memory_space<vmem>> -> memref<64xf32, #tpu.memory_space<vmem>>
      %dma_start3A_232 = arith.constant 0 : i32
      %dma_start3A_233 = tpu.memref_slice %arg2[%get3A_228, %dma_start3A_232] : memref<1000000x64xf32, #tpu.memory_space<any>> -> memref<1x64xf32, #tpu.memory_space<any>>
      %dma_start3A_234 = tpu.memref_squeeze %dma_start3A_233 : memref<1x64xf32, #tpu.memory_space<any>> -> memref<64xf32, #tpu.memory_space<any>>
      tpu.enqueue_dma source(%dma_start3A_234 : memref<64xf32, #tpu.memory_space<any>>) target(%dma_start3A_231 : memref<64xf32, #tpu.memory_space<vmem>>) target_semaphore(%arg4 : memref<!tpu.dma_semaphore, #tpu.memory_space<semaphore_mem>>)
      %mul3A_235 = arith.constant 8 : i32
      %mul3A_236 = arith.muli %scan3A_198, %mul3A_235 : i32
      %add3A_237 = arith.constant 3 : i32
      %add3A_238 = arith.addi %mul3A_236, %add3A_237 : i32
      %get3A_239 = arith.index_cast %add3A_238 : i32 to index
      %get3A_240 = memref.load %arg1[%get3A_239] : memref<4096xi32, #tpu.memory_space<smem>>
      %dma_start3A_241 = arith.constant 0 : i32
      %dma_start3A_242 = tpu.memref_slice %arg3[%add3A_238, %dma_start3A_241] : memref<4096x64xf32, #tpu.memory_space<vmem>> -> memref<1x64xf32, #tpu.memory_space<vmem>>
      %dma_start3A_243 = tpu.memref_squeeze %dma_start3A_242 : memref<1x64xf32, #tpu.memory_space<vmem>> -> memref<64xf32, #tpu.memory_space<vmem>>
      %dma_start3A_244 = arith.constant 0 : i32
      %dma_start3A_245 = tpu.memref_slice %arg2[%get3A_240, %dma_start3A_244] : memref<1000000x64xf32, #tpu.memory_space<any>> -> memref<1x64xf32, #tpu.memory_space<any>>
      %dma_start3A_246 = tpu.memref_squeeze %dma_start3A_245 : memref<1x64xf32, #tpu.memory_space<any>> -> memref<64xf32, #tpu.memory_space<any>>
      tpu.enqueue_dma source(%dma_start3A_246 : memref<64xf32, #tpu.memory_space<any>>) target(%dma_start3A_243 : memref<64xf32, #tpu.memory_space<vmem>>) target_semaphore(%arg4 : memref<!tpu.dma_semaphore, #tpu.memory_space<semaphore_mem>>)
      %mul3A_247 = arith.constant 8 : i32
      %mul3A_248 = arith.muli %scan3A_198, %mul3A_247 : i32
      %add3A_249 = arith.constant 4 : i32
      %add3A_250 = arith.addi %mul3A_248, %add3A_249 : i32
      %get3A_251 = arith.index_cast %add3A_250 : i32 to index
      %get3A_252 = memref.load %arg1[%get3A_251] : memref<4096xi32, #tpu.memory_space<smem>>
      %dma_start3A_253 = arith.constant 0 : i32
      %dma_start3A_254 = tpu.memref_slice %arg3[%add3A_250, %dma_start3A_253] : memref<4096x64xf32, #tpu.memory_space<vmem>> -> memref<1x64xf32, #tpu.memory_space<vmem>>
      %dma_start3A_255 = tpu.memref_squeeze %dma_start3A_254 : memref<1x64xf32, #tpu.memory_space<vmem>> -> memref<64xf32, #tpu.memory_space<vmem>>
      %dma_start3A_256 = arith.constant 0 : i32
      %dma_start3A_257 = tpu.memref_slice %arg2[%get3A_252, %dma_start3A_256] : memref<1000000x64xf32, #tpu.memory_space<any>> -> memref<1x64xf32, #tpu.memory_space<any>>
      %dma_start3A_258 = tpu.memref_squeeze %dma_start3A_257 : memref<1x64xf32, #tpu.memory_space<any>> -> memref<64xf32, #tpu.memory_space<any>>
      tpu.enqueue_dma source(%dma_start3A_258 : memref<64xf32, #tpu.memory_space<any>>) target(%dma_start3A_255 : memref<64xf32, #tpu.memory_space<vmem>>) target_semaphore(%arg4 : memref<!tpu.dma_semaphore, #tpu.memory_space<semaphore_mem>>)
      %mul3A_259 = arith.constant 8 : i32
      %mul3A_260 = arith.muli %scan3A_198, %mul3A_259 : i32
      %add3A_261 = arith.constant 5 : i32
      %add3A_262 = arith.addi %mul3A_260, %add3A_261 : i32
      %get3A_263 = arith.index_cast %add3A_262 : i32 to index
      %get3A_264 = memref.load %arg1[%get3A_263] : memref<4096xi32, #tpu.memory_space<smem>>
      %dma_start3A_265 = arith.constant 0 : i32
      %dma_start3A_266 = tpu.memref_slice %arg3[%add3A_262, %dma_start3A_265] : memref<4096x64xf32, #tpu.memory_space<vmem>> -> memref<1x64xf32, #tpu.memory_space<vmem>>
      %dma_start3A_267 = tpu.memref_squeeze %dma_start3A_266 : memref<1x64xf32, #tpu.memory_space<vmem>> -> memref<64xf32, #tpu.memory_space<vmem>>
      %dma_start3A_268 = arith.constant 0 : i32
      %dma_start3A_269 = tpu.memref_slice %arg2[%get3A_264, %dma_start3A_268] : memref<1000000x64xf32, #tpu.memory_space<any>> -> memref<1x64xf32, #tpu.memory_space<any>>
      %dma_start3A_270 = tpu.memref_squeeze %dma_start3A_269 : memref<1x64xf32, #tpu.memory_space<any>> -> memref<64xf32, #tpu.memory_space<any>>
      tpu.enqueue_dma source(%dma_start3A_270 : memref<64xf32, #tpu.memory_space<any>>) target(%dma_start3A_267 : memref<64xf32, #tpu.memory_space<vmem>>) target_semaphore(%arg4 : memref<!tpu.dma_semaphore, #tpu.memory_space<semaphore_mem>>)
      %mul3A_271 = arith.constant 8 : i32
      %mul3A_272 = arith.muli %scan3A_198, %mul3A_271 : i32
      %add3A_273 = arith.constant 6 : i32
      %add3A_274 = arith.addi %mul3A_272, %add3A_273 : i32
      %get3A_275 = arith.index_cast %add3A_274 : i32 to index
      %get3A_276 = memref.load %arg1[%get3A_275] : memref<4096xi32, #tpu.memory_space<smem>>
      %dma_start3A_277 = arith.constant 0 : i32
      %dma_start3A_278 = tpu.memref_slice %arg3[%add3A_274, %dma_start3A_277] : memref<4096x64xf32, #tpu.memory_space<vmem>> -> memref<1x64xf32, #tpu.memory_space<vmem>>
      %dma_start3A_279 = tpu.memref_squeeze %dma_start3A_278 : memref<1x64xf32, #tpu.memory_space<vmem>> -> memref<64xf32, #tpu.memory_space<vmem>>
      %dma_start3A_280 = arith.constant 0 : i32
      %dma_start3A_281 = tpu.memref_slice %arg2[%get3A_276, %dma_start3A_280] : memref<1000000x64xf32, #tpu.memory_space<any>> -> memref<1x64xf32, #tpu.memory_space<any>>
      %dma_start3A_282 = tpu.memref_squeeze %dma_start3A_281 : memref<1x64xf32, #tpu.memory_space<any>> -> memref<64xf32, #tpu.memory_space<any>>
      tpu.enqueue_dma source(%dma_start3A_282 : memref<64xf32, #tpu.memory_space<any>>) target(%dma_start3A_279 : memref<64xf32, #tpu.memory_space<vmem>>) target_semaphore(%arg4 : memref<!tpu.dma_semaphore, #tpu.memory_space<semaphore_mem>>)
      %mul3A_283 = arith.constant 8 : i32
      %mul3A_284 = arith.muli %scan3A_198, %mul3A_283 : i32
      %add3A_285 = arith.constant 7 : i32
      %add3A_286 = arith.addi %mul3A_284, %add3A_285 : i32
      %get3A_287 = arith.index_cast %add3A_286 : i32 to index
      %get3A_288 = memref.load %arg1[%get3A_287] : memref<4096xi32, #tpu.memory_space<smem>>
      %dma_start3A_289 = arith.constant 0 : i32
      %dma_start3A_290 = tpu.memref_slice %arg3[%add3A_286, %dma_start3A_289] : memref<4096x64xf32, #tpu.memory_space<vmem>> -> memref<1x64xf32, #tpu.memory_space<vmem>>
      %dma_start3A_291 = tpu.memref_squeeze %dma_start3A_290 : memref<1x64xf32, #tpu.memory_space<vmem>> -> memref<64xf32, #tpu.memory_space<vmem>>
      %dma_start3A_292 = arith.constant 0 : i32
      %dma_start3A_293 = tpu.memref_slice %arg2[%get3A_288, %dma_start3A_292] : memref<1000000x64xf32, #tpu.memory_space<any>> -> memref<1x64xf32, #tpu.memory_space<any>>
      %dma_start3A_294 = tpu.memref_squeeze %dma_start3A_293 : memref<1x64xf32, #tpu.memory_space<any>> -> memref<64xf32, #tpu.memory_space<any>>
      tpu.enqueue_dma source(%dma_start3A_294 : memref<64xf32, #tpu.memory_space<any>>) target(%dma_start3A_291 : memref<64xf32, #tpu.memory_space<vmem>>) target_semaphore(%arg4 : memref<!tpu.dma_semaphore, #tpu.memory_space<semaphore_mem>>)
      %scan3A_295 = arith.constant 3 : i32
      %scan3A_296 = arith.addi %scan3A_6, %scan3A_295 : i32
      %mul3A_297 = arith.constant 8 : i32
      %mul3A_298 = arith.muli %scan3A_296, %mul3A_297 : i32
      %add3A_299 = arith.constant 0 : i32
      %add3A_300 = arith.addi %mul3A_298, %add3A_299 : i32
      %get3A_301 = arith.index_cast %add3A_300 : i32 to index
      %get3A_302 = memref.load %arg1[%get3A_301] : memref<4096xi32, #tpu.memory_space<smem>>
      %dma_start3A_303 = arith.constant 0 : i32
      %dma_start3A_304 = tpu.memref_slice %arg3[%add3A_300, %dma_start3A_303] : memref<4096x64xf32, #tpu.memory_space<vmem>> -> memref<1x64xf32, #tpu.memory_space<vmem>>
      %dma_start3A_305 = tpu.memref_squeeze %dma_start3A_304 : memref<1x64xf32, #tpu.memory_space<vmem>> -> memref<64xf32, #tpu.memory_space<vmem>>
      %dma_start3A_306 = arith.constant 0 : i32
      %dma_start3A_307 = tpu.memref_slice %arg2[%get3A_302, %dma_start3A_306] : memref<1000000x64xf32, #tpu.memory_space<any>> -> memref<1x64xf32, #tpu.memory_space<any>>
      %dma_start3A_308 = tpu.memref_squeeze %dma_start3A_307 : memref<1x64xf32, #tpu.memory_space<any>> -> memref<64xf32, #tpu.memory_space<any>>
      tpu.enqueue_dma source(%dma_start3A_308 : memref<64xf32, #tpu.memory_space<any>>) target(%dma_start3A_305 : memref<64xf32, #tpu.memory_space<vmem>>) target_semaphore(%arg4 : memref<!tpu.dma_semaphore, #tpu.memory_space<semaphore_mem>>)
      %mul3A_309 = arith.constant 8 : i32
      %mul3A_310 = arith.muli %scan3A_296, %mul3A_309 : i32
      %add3A_311 = arith.constant 1 : i32
      %add3A_312 = arith.addi %mul3A_310, %add3A_311 : i32
      %get3A_313 = arith.index_cast %add3A_312 : i32 to index
      %get3A_314 = memref.load %arg1[%get3A_313] : memref<4096xi32, #tpu.memory_space<smem>>
      %dma_start3A_315 = arith.constant 0 : i32
      %dma_start3A_316 = tpu.memref_slice %arg3[%add3A_312, %dma_start3A_315] : memref<4096x64xf32, #tpu.memory_space<vmem>> -> memref<1x64xf32, #tpu.memory_space<vmem>>
      %dma_start3A_317 = tpu.memref_squeeze %dma_start3A_316 : memref<1x64xf32, #tpu.memory_space<vmem>> -> memref<64xf32, #tpu.memory_space<vmem>>
      %dma_start3A_318 = arith.constant 0 : i32
      %dma_start3A_319 = tpu.memref_slice %arg2[%get3A_314, %dma_start3A_318] : memref<1000000x64xf32, #tpu.memory_space<any>> -> memref<1x64xf32, #tpu.memory_space<any>>
      %dma_start3A_320 = tpu.memref_squeeze %dma_start3A_319 : memref<1x64xf32, #tpu.memory_space<any>> -> memref<64xf32, #tpu.memory_space<any>>
      tpu.enqueue_dma source(%dma_start3A_320 : memref<64xf32, #tpu.memory_space<any>>) target(%dma_start3A_317 : memref<64xf32, #tpu.memory_space<vmem>>) target_semaphore(%arg4 : memref<!tpu.dma_semaphore, #tpu.memory_space<semaphore_mem>>)
      %mul3A_321 = arith.constant 8 : i32
      %mul3A_322 = arith.muli %scan3A_296, %mul3A_321 : i32
      %add3A_323 = arith.constant 2 : i32
      %add3A_324 = arith.addi %mul3A_322, %add3A_323 : i32
      %get3A_325 = arith.index_cast %add3A_324 : i32 to index
      %get3A_326 = memref.load %arg1[%get3A_325] : memref<4096xi32, #tpu.memory_space<smem>>
      %dma_start3A_327 = arith.constant 0 : i32
      %dma_start3A_328 = tpu.memref_slice %arg3[%add3A_324, %dma_start3A_327] : memref<4096x64xf32, #tpu.memory_space<vmem>> -> memref<1x64xf32, #tpu.memory_space<vmem>>
      %dma_start3A_329 = tpu.memref_squeeze %dma_start3A_328 : memref<1x64xf32, #tpu.memory_space<vmem>> -> memref<64xf32, #tpu.memory_space<vmem>>
      %dma_start3A_330 = arith.constant 0 : i32
      %dma_start3A_331 = tpu.memref_slice %arg2[%get3A_326, %dma_start3A_330] : memref<1000000x64xf32, #tpu.memory_space<any>> -> memref<1x64xf32, #tpu.memory_space<any>>
      %dma_start3A_332 = tpu.memref_squeeze %dma_start3A_331 : memref<1x64xf32, #tpu.memory_space<any>> -> memref<64xf32, #tpu.memory_space<any>>
      tpu.enqueue_dma source(%dma_start3A_332 : memref<64xf32, #tpu.memory_space<any>>) target(%dma_start3A_329 : memref<64xf32, #tpu.memory_space<vmem>>) target_semaphore(%arg4 : memref<!tpu.dma_semaphore, #tpu.memory_space<semaphore_mem>>)
      %mul3A_333 = arith.constant 8 : i32
      %mul3A_334 = arith.muli %scan3A_296, %mul3A_333 : i32
      %add3A_335 = arith.constant 3 : i32
      %add3A_336 = arith.addi %mul3A_334, %add3A_335 : i32
      %get3A_337 = arith.index_cast %add3A_336 : i32 to index
      %get3A_338 = memref.load %arg1[%get3A_337] : memref<4096xi32, #tpu.memory_space<smem>>
      %dma_start3A_339 = arith.constant 0 : i32
      %dma_start3A_340 = tpu.memref_slice %arg3[%add3A_336, %dma_start3A_339] : memref<4096x64xf32, #tpu.memory_space<vmem>> -> memref<1x64xf32, #tpu.memory_space<vmem>>
      %dma_start3A_341 = tpu.memref_squeeze %dma_start3A_340 : memref<1x64xf32, #tpu.memory_space<vmem>> -> memref<64xf32, #tpu.memory_space<vmem>>
      %dma_start3A_342 = arith.constant 0 : i32
      %dma_start3A_343 = tpu.memref_slice %arg2[%get3A_338, %dma_start3A_342] : memref<1000000x64xf32, #tpu.memory_space<any>> -> memref<1x64xf32, #tpu.memory_space<any>>
      %dma_start3A_344 = tpu.memref_squeeze %dma_start3A_343 : memref<1x64xf32, #tpu.memory_space<any>> -> memref<64xf32, #tpu.memory_space<any>>
      tpu.enqueue_dma source(%dma_start3A_344 : memref<64xf32, #tpu.memory_space<any>>) target(%dma_start3A_341 : memref<64xf32, #tpu.memory_space<vmem>>) target_semaphore(%arg4 : memref<!tpu.dma_semaphore, #tpu.memory_space<semaphore_mem>>)
      %mul3A_345 = arith.constant 8 : i32
      %mul3A_346 = arith.muli %scan3A_296, %mul3A_345 : i32
      %add3A_347 = arith.constant 4 : i32
      %add3A_348 = arith.addi %mul3A_346, %add3A_347 : i32
      %get3A_349 = arith.index_cast %add3A_348 : i32 to index
      %get3A_350 = memref.load %arg1[%get3A_349] : memref<4096xi32, #tpu.memory_space<smem>>
      %dma_start3A_351 = arith.constant 0 : i32
      %dma_start3A_352 = tpu.memref_slice %arg3[%add3A_348, %dma_start3A_351] : memref<4096x64xf32, #tpu.memory_space<vmem>> -> memref<1x64xf32, #tpu.memory_space<vmem>>
      %dma_start3A_353 = tpu.memref_squeeze %dma_start3A_352 : memref<1x64xf32, #tpu.memory_space<vmem>> -> memref<64xf32, #tpu.memory_space<vmem>>
      %dma_start3A_354 = arith.constant 0 : i32
      %dma_start3A_355 = tpu.memref_slice %arg2[%get3A_350, %dma_start3A_354] : memref<1000000x64xf32, #tpu.memory_space<any>> -> memref<1x64xf32, #tpu.memory_space<any>>
      %dma_start3A_356 = tpu.memref_squeeze %dma_start3A_355 : memref<1x64xf32, #tpu.memory_space<any>> -> memref<64xf32, #tpu.memory_space<any>>
      tpu.enqueue_dma source(%dma_start3A_356 : memref<64xf32, #tpu.memory_space<any>>) target(%dma_start3A_353 : memref<64xf32, #tpu.memory_space<vmem>>) target_semaphore(%arg4 : memref<!tpu.dma_semaphore, #tpu.memory_space<semaphore_mem>>)
      %mul3A_357 = arith.constant 8 : i32
      %mul3A_358 = arith.muli %scan3A_296, %mul3A_357 : i32
      %add3A_359 = arith.constant 5 : i32
      %add3A_360 = arith.addi %mul3A_358, %add3A_359 : i32
      %get3A_361 = arith.index_cast %add3A_360 : i32 to index
      %get3A_362 = memref.load %arg1[%get3A_361] : memref<4096xi32, #tpu.memory_space<smem>>
      %dma_start3A_363 = arith.constant 0 : i32
      %dma_start3A_364 = tpu.memref_slice %arg3[%add3A_360, %dma_start3A_363] : memref<4096x64xf32, #tpu.memory_space<vmem>> -> memref<1x64xf32, #tpu.memory_space<vmem>>
      %dma_start3A_365 = tpu.memref_squeeze %dma_start3A_364 : memref<1x64xf32, #tpu.memory_space<vmem>> -> memref<64xf32, #tpu.memory_space<vmem>>
      %dma_start3A_366 = arith.constant 0 : i32
      %dma_start3A_367 = tpu.memref_slice %arg2[%get3A_362, %dma_start3A_366] : memref<1000000x64xf32, #tpu.memory_space<any>> -> memref<1x64xf32, #tpu.memory_space<any>>
      %dma_start3A_368 = tpu.memref_squeeze %dma_start3A_367 : memref<1x64xf32, #tpu.memory_space<any>> -> memref<64xf32, #tpu.memory_space<any>>
      tpu.enqueue_dma source(%dma_start3A_368 : memref<64xf32, #tpu.memory_space<any>>) target(%dma_start3A_365 : memref<64xf32, #tpu.memory_space<vmem>>) target_semaphore(%arg4 : memref<!tpu.dma_semaphore, #tpu.memory_space<semaphore_mem>>)
      %mul3A_369 = arith.constant 8 : i32
      %mul3A_370 = arith.muli %scan3A_296, %mul3A_369 : i32
      %add3A_371 = arith.constant 6 : i32
      %add3A_372 = arith.addi %mul3A_370, %add3A_371 : i32
      %get3A_373 = arith.index_cast %add3A_372 : i32 to index
      %get3A_374 = memref.load %arg1[%get3A_373] : memref<4096xi32, #tpu.memory_space<smem>>
      %dma_start3A_375 = arith.constant 0 : i32
      %dma_start3A_376 = tpu.memref_slice %arg3[%add3A_372, %dma_start3A_375] : memref<4096x64xf32, #tpu.memory_space<vmem>> -> memref<1x64xf32, #tpu.memory_space<vmem>>
      %dma_start3A_377 = tpu.memref_squeeze %dma_start3A_376 : memref<1x64xf32, #tpu.memory_space<vmem>> -> memref<64xf32, #tpu.memory_space<vmem>>
      %dma_start3A_378 = arith.constant 0 : i32
      %dma_start3A_379 = tpu.memref_slice %arg2[%get3A_374, %dma_start3A_378] : memref<1000000x64xf32, #tpu.memory_space<any>> -> memref<1x64xf32, #tpu.memory_space<any>>
      %dma_start3A_380 = tpu.memref_squeeze %dma_start3A_379 : memref<1x64xf32, #tpu.memory_space<any>> -> memref<64xf32, #tpu.memory_space<any>>
      tpu.enqueue_dma source(%dma_start3A_380 : memref<64xf32, #tpu.memory_space<any>>) target(%dma_start3A_377 : memref<64xf32, #tpu.memory_space<vmem>>) target_semaphore(%arg4 : memref<!tpu.dma_semaphore, #tpu.memory_space<semaphore_mem>>)
      %mul3A_381 = arith.constant 8 : i32
      %mul3A_382 = arith.muli %scan3A_296, %mul3A_381 : i32
      %add3A_383 = arith.constant 7 : i32
      %add3A_384 = arith.addi %mul3A_382, %add3A_383 : i32
      %get3A_385 = arith.index_cast %add3A_384 : i32 to index
      %get3A_386 = memref.load %arg1[%get3A_385] : memref<4096xi32, #tpu.memory_space<smem>>
      %dma_start3A_387 = arith.constant 0 : i32
      %dma_start3A_388 = tpu.memref_slice %arg3[%add3A_384, %dma_start3A_387] : memref<4096x64xf32, #tpu.memory_space<vmem>> -> memref<1x64xf32, #tpu.memory_space<vmem>>
      %dma_start3A_389 = tpu.memref_squeeze %dma_start3A_388 : memref<1x64xf32, #tpu.memory_space<vmem>> -> memref<64xf32, #tpu.memory_space<vmem>>
      %dma_start3A_390 = arith.constant 0 : i32
      %dma_start3A_391 = tpu.memref_slice %arg2[%get3A_386, %dma_start3A_390] : memref<1000000x64xf32, #tpu.memory_space<any>> -> memref<1x64xf32, #tpu.memory_space<any>>
      %dma_start3A_392 = tpu.memref_squeeze %dma_start3A_391 : memref<1x64xf32, #tpu.memory_space<any>> -> memref<64xf32, #tpu.memory_space<any>>
      tpu.enqueue_dma source(%dma_start3A_392 : memref<64xf32, #tpu.memory_space<any>>) target(%dma_start3A_389 : memref<64xf32, #tpu.memory_space<vmem>>) target_semaphore(%arg4 : memref<!tpu.dma_semaphore, #tpu.memory_space<semaphore_mem>>)
    }
    %scan3A_3 = arith.constant 512 : i32
    %dma_wait3A = arith.constant 0 : i32
    %dma_wait3A_4 = arith.constant 0 : i32
    %dma_wait3A_5 = tpu.memref_slice %arg2[%dma_wait3A, %dma_wait3A_4] : memref<1000000x64xf32, #tpu.memory_space<any>> -> memref<4096x64xf32, #tpu.memory_space<any>>
    tpu.wait_dma2 semaphore(%arg4 : memref<!tpu.dma_semaphore, #tpu.memory_space<semaphore_mem>>) src(%dma_wait3A_5 : memref<4096x64xf32, #tpu.memory_space<any>>) dst(%arg3 : memref<4096x64xf32, #tpu.memory_space<vmem>>)
    return
  }
  func.func @transform_1(%arg0: i32, %arg1: memref<4096xi32, #tpu.memory_space<smem>>) -> (i32, i32) {
    %c0_i32 = arith.constant 0 : i32
    %c0_i32_0 = arith.constant 0 : i32
    %c0_i32_1 = arith.constant 0 : i32
    return %c0_i32, %c0_i32_0 : i32, i32
  }
}

module attributes {stable_mosaic.version = 14 : i64} {
  func.func @_mlp_body(%arg0: i32, %arg1: memref<512x64xf32, #tpu.memory_space<vmem>>, %arg2: memref<512x64xf32, #tpu.memory_space<vmem>>, %arg3: memref<512x1xf32, #tpu.memory_space<vmem>>, %arg4: memref<512x25xf32, #tpu.memory_space<vmem>>, %arg5: memref<25x64xf32, #tpu.memory_space<vmem>>, %arg6: memref<1x64xf32, #tpu.memory_space<vmem>>, %arg7: memref<192x256xf32, #tpu.memory_space<vmem>>, %arg8: memref<1x256xf32, #tpu.memory_space<vmem>>, %arg9: memref<256x128xf32, #tpu.memory_space<vmem>>, %arg10: memref<1x128xf32, #tpu.memory_space<vmem>>, %arg11: memref<128x64xf32, #tpu.memory_space<vmem>>, %arg12: memref<1x64xf32, #tpu.memory_space<vmem>>, %arg13: memref<512x64xf32, #tpu.memory_space<vmem>>) attributes {dimension_semantics = [#tpu.dimension_semantics<arbitrary>], iteration_bounds = array<i64: 8>, scalar_prefetch = 0 : i64, scratch_operands = 0 : i64, tpu.core_type = #tpu.core_type<tc>, window_params = [{transform_indices = @transform_0, window_bounds = array<i64: 512, 64>}, {transform_indices = @transform_1, window_bounds = array<i64: 512, 64>}, {transform_indices = @transform_2, window_bounds = array<i64: 512, 1>}, {transform_indices = @transform_3, window_bounds = array<i64: 512, 25>}, {pipeline_mode = #tpu.pipeline_mode<synchronous>, transform_indices = @transform_4, window_bounds = array<i64: 25, 64>}, {pipeline_mode = #tpu.pipeline_mode<synchronous>, transform_indices = @transform_5, window_bounds = array<i64: 1, 64>}, {pipeline_mode = #tpu.pipeline_mode<synchronous>, transform_indices = @transform_6, window_bounds = array<i64: 192, 256>}, {pipeline_mode = #tpu.pipeline_mode<synchronous>, transform_indices = @transform_7, window_bounds = array<i64: 1, 256>}, {pipeline_mode = #tpu.pipeline_mode<synchronous>, transform_indices = @transform_8, window_bounds = array<i64: 256, 128>}, {pipeline_mode = #tpu.pipeline_mode<synchronous>, transform_indices = @transform_9, window_bounds = array<i64: 1, 128>}, {pipeline_mode = #tpu.pipeline_mode<synchronous>, transform_indices = @transform_10, window_bounds = array<i64: 128, 64>}, {pipeline_mode = #tpu.pipeline_mode<synchronous>, transform_indices = @transform_11, window_bounds = array<i64: 1, 64>}, {transform_indices = @transform_12, window_bounds = array<i64: 512, 64>}]} {
    %get3A = arith.constant 0 : index
    %get3A_0 = arith.constant 0 : index
    %get3A_1 = vector.load %arg1[%get3A, %get3A_0] : memref<512x64xf32, #tpu.memory_space<vmem>>, vector<512x64xf32>
    %get3A_2 = arith.constant 0 : index
    %get3A_3 = arith.constant 0 : index
    %get3A_4 = vector.load %arg2[%get3A_2, %get3A_3] : memref<512x64xf32, #tpu.memory_space<vmem>>, vector<512x64xf32>
    %get3A_5 = arith.constant 0 : index
    %get3A_6 = arith.constant 0 : index
    %get3A_7 = vector.load %arg3[%get3A_5, %get3A_6] : memref<512x1xf32, #tpu.memory_space<vmem>>, vector<512x1xf32>
    %add3A = arith.constant 9.99999971E-10 : f32
    %add3A_8 = vector.broadcast %add3A : f32 to vector<512x1xf32>
    %add3A_9 = arith.addf %get3A_7, %add3A_8 : vector<512x1xf32>
    %div3A = vector.broadcast %add3A_9 : vector<512x1xf32> to vector<512x64xf32>
    %div3A_10 = arith.divf %get3A_4, %div3A : vector<512x64xf32>
    %get3A_11 = arith.constant 0 : index
    %get3A_12 = arith.constant 0 : index
    %get3A_13 = vector.load %arg4[%get3A_11, %get3A_12] : memref<512x25xf32, #tpu.memory_space<vmem>>, vector<512x25xf32>
    %get3A_14 = arith.constant 0 : index
    %get3A_15 = arith.constant 0 : index
    %get3A_16 = vector.load %arg5[%get3A_14, %get3A_15] : memref<25x64xf32, #tpu.memory_space<vmem>>, vector<25x64xf32>
    %dot_general3A = arith.constant dense<0.000000e+00> : vector<512x64xf32>
    %dot_general3A_17 = tpu.matmul %get3A_13, %get3A_16, %dot_general3A {dimension_numbers = #tpu.dot_dimension_numbers<[1], [0], [0], [1], [0, 0, 1, 1], [], []>, transpose_lhs_hint = false} : vector<512x25xf32>, vector<25x64xf32>, vector<512x64xf32> -> vector<512x64xf32>
    %get3A_18 = arith.constant 0 : index
    %get3A_19 = arith.constant 0 : index
    %get3A_20 = vector.load %arg6[%get3A_18, %get3A_19] : memref<1x64xf32, #tpu.memory_space<vmem>>, vector<1x64xf32>
    %add3A_21 = vector.broadcast %get3A_20 : vector<1x64xf32> to vector<512x64xf32>
    %add3A_22 = arith.addf %dot_general3A_17, %add3A_21 : vector<512x64xf32>
    %max3A = arith.constant 0.000000e+00 : f32
    %max3A_23 = vector.broadcast %max3A : f32 to vector<512x64xf32>
    %max3A_24 = arith.maximumf %add3A_22, %max3A_23 : vector<512x64xf32>
    %get3A_25 = arith.constant 0 : index
    %get3A_26 = arith.constant 0 : index
    %get3A_27 = vector.load %arg7[%get3A_25, %get3A_26] : memref<192x256xf32, #tpu.memory_space<vmem>>, vector<192x256xf32>
    %slice3A = vector.extract_strided_slice %get3A_27 {offsets = [0, 0], sizes = [64, 256], strides = [1, 1]} : vector<192x256xf32> to vector<64x256xf32>
    %dot_general3A_28 = arith.constant dense<0.000000e+00> : vector<512x256xf32>
    %dot_general3A_29 = tpu.matmul %get3A_1, %slice3A, %dot_general3A_28 {dimension_numbers = #tpu.dot_dimension_numbers<[1], [0], [0], [1], [0, 0, 1, 1], [], []>, transpose_lhs_hint = false} : vector<512x64xf32>, vector<64x256xf32>, vector<512x256xf32> -> vector<512x256xf32>
    %slice3A_30 = vector.extract_strided_slice %get3A_27 {offsets = [64, 0], sizes = [64, 256], strides = [1, 1]} : vector<192x256xf32> to vector<64x256xf32>
    %dot_general3A_31 = arith.constant dense<0.000000e+00> : vector<512x256xf32>
    %dot_general3A_32 = tpu.matmul %div3A_10, %slice3A_30, %dot_general3A_31 {dimension_numbers = #tpu.dot_dimension_numbers<[1], [0], [0], [1], [0, 0, 1, 1], [], []>, transpose_lhs_hint = false} : vector<512x64xf32>, vector<64x256xf32>, vector<512x256xf32> -> vector<512x256xf32>
    %add3A_33 = arith.addf %dot_general3A_29, %dot_general3A_32 : vector<512x256xf32>
    %slice3A_34 = vector.extract_strided_slice %get3A_27 {offsets = [128, 0], sizes = [64, 256], strides = [1, 1]} : vector<192x256xf32> to vector<64x256xf32>
    %dot_general3A_35 = arith.constant dense<0.000000e+00> : vector<512x256xf32>
    %dot_general3A_36 = tpu.matmul %max3A_24, %slice3A_34, %dot_general3A_35 {dimension_numbers = #tpu.dot_dimension_numbers<[1], [0], [0], [1], [0, 0, 1, 1], [], []>, transpose_lhs_hint = false} : vector<512x64xf32>, vector<64x256xf32>, vector<512x256xf32> -> vector<512x256xf32>
    %add3A_37 = arith.addf %add3A_33, %dot_general3A_36 : vector<512x256xf32>
    %get3A_38 = arith.constant 0 : index
    %get3A_39 = arith.constant 0 : index
    %get3A_40 = vector.load %arg8[%get3A_38, %get3A_39] : memref<1x256xf32, #tpu.memory_space<vmem>>, vector<1x256xf32>
    %add3A_41 = vector.broadcast %get3A_40 : vector<1x256xf32> to vector<512x256xf32>
    %add3A_42 = arith.addf %add3A_37, %add3A_41 : vector<512x256xf32>
    %max3A_43 = arith.constant 0.000000e+00 : f32
    %max3A_44 = vector.broadcast %max3A_43 : f32 to vector<512x256xf32>
    %max3A_45 = arith.maximumf %add3A_42, %max3A_44 : vector<512x256xf32>
    %get3A_46 = arith.constant 0 : index
    %get3A_47 = arith.constant 0 : index
    %get3A_48 = vector.load %arg9[%get3A_46, %get3A_47] : memref<256x128xf32, #tpu.memory_space<vmem>>, vector<256x128xf32>
    %dot_general3A_49 = arith.constant dense<0.000000e+00> : vector<512x128xf32>
    %dot_general3A_50 = tpu.matmul %max3A_45, %get3A_48, %dot_general3A_49 {dimension_numbers = #tpu.dot_dimension_numbers<[1], [0], [0], [1], [0, 0, 1, 1], [], []>, transpose_lhs_hint = false} : vector<512x256xf32>, vector<256x128xf32>, vector<512x128xf32> -> vector<512x128xf32>
    %get3A_51 = arith.constant 0 : index
    %get3A_52 = arith.constant 0 : index
    %get3A_53 = vector.load %arg10[%get3A_51, %get3A_52] : memref<1x128xf32, #tpu.memory_space<vmem>>, vector<1x128xf32>
    %add3A_54 = vector.broadcast %get3A_53 : vector<1x128xf32> to vector<512x128xf32>
    %add3A_55 = arith.addf %dot_general3A_50, %add3A_54 : vector<512x128xf32>
    %max3A_56 = arith.constant 0.000000e+00 : f32
    %max3A_57 = vector.broadcast %max3A_56 : f32 to vector<512x128xf32>
    %max3A_58 = arith.maximumf %add3A_55, %max3A_57 : vector<512x128xf32>
    %get3A_59 = arith.constant 0 : index
    %get3A_60 = arith.constant 0 : index
    %get3A_61 = vector.load %arg11[%get3A_59, %get3A_60] : memref<128x64xf32, #tpu.memory_space<vmem>>, vector<128x64xf32>
    %dot_general3A_62 = arith.constant dense<0.000000e+00> : vector<512x64xf32>
    %dot_general3A_63 = tpu.matmul %max3A_58, %get3A_61, %dot_general3A_62 {dimension_numbers = #tpu.dot_dimension_numbers<[1], [0], [0], [1], [0, 0, 1, 1], [], []>, transpose_lhs_hint = false} : vector<512x128xf32>, vector<128x64xf32>, vector<512x64xf32> -> vector<512x64xf32>
    %get3A_64 = arith.constant 0 : index
    %get3A_65 = arith.constant 0 : index
    %get3A_66 = vector.load %arg12[%get3A_64, %get3A_65] : memref<1x64xf32, #tpu.memory_space<vmem>>, vector<1x64xf32>
    %add3A_67 = vector.broadcast %get3A_66 : vector<1x64xf32> to vector<512x64xf32>
    %add3A_68 = arith.addf %dot_general3A_63, %add3A_67 : vector<512x64xf32>
    %mul3A = arith.mulf %add3A_68, %add3A_68 : vector<512x64xf32>
    %reduce_sum3A = arith.constant dense<0.000000e+00> : vector<512xf32>
    %reduce_sum3A_69 = vector.multi_reduction <add>, %mul3A, %reduce_sum3A [1] : vector<512x64xf32> to vector<512xf32>
    %broadcast_in_dim3A = vector.shape_cast %reduce_sum3A_69 : vector<512xf32> to vector<512x1xf32>
    %sqrt3A = math.sqrt %broadcast_in_dim3A : vector<512x1xf32>
    %max3A_70 = arith.constant 9.99999996E-13 : f32
    %max3A_71 = vector.broadcast %max3A_70 : f32 to vector<512x1xf32>
    %max3A_72 = arith.maximumf %sqrt3A, %max3A_71 : vector<512x1xf32>
    %div3A_73 = vector.broadcast %max3A_72 : vector<512x1xf32> to vector<512x64xf32>
    %div3A_74 = arith.divf %add3A_68, %div3A_73 : vector<512x64xf32>
    %swap3A = arith.constant 0 : index
    %swap3A_75 = arith.constant 0 : index
    %swap3A_76 = vector.load %arg13[%swap3A, %swap3A_75] : memref<512x64xf32, #tpu.memory_space<vmem>>, vector<512x64xf32>
    tpu.vector_store %arg13[%swap3A, %swap3A_75], %div3A_74 {strides = array<i32>} : memref<512x64xf32, #tpu.memory_space<vmem>>, vector<512x64xf32>,
    return
  }
  func.func @transform_0(%arg0: i32) -> (i32, i32) {
    %c0_i32 = arith.constant 0 : i32
    %c0_i32_0 = arith.constant 0 : i32
    return %arg0, %c0_i32 : i32, i32
  }
  func.func @transform_1(%arg0: i32) -> (i32, i32) {
    %c0_i32 = arith.constant 0 : i32
    %c0_i32_0 = arith.constant 0 : i32
    return %arg0, %c0_i32 : i32, i32
  }
  func.func @transform_2(%arg0: i32) -> (i32, i32) {
    %c0_i32 = arith.constant 0 : i32
    %c0_i32_0 = arith.constant 0 : i32
    return %arg0, %c0_i32 : i32, i32
  }
  func.func @transform_3(%arg0: i32) -> (i32, i32) {
    %c0_i32 = arith.constant 0 : i32
    %c0_i32_0 = arith.constant 0 : i32
    return %arg0, %c0_i32 : i32, i32
  }
  func.func @transform_4(%arg0: i32) -> (i32, i32) {
    %c0_i32 = arith.constant 0 : i32
    %c0_i32_0 = arith.constant 0 : i32
    %c0_i32_1 = arith.constant 0 : i32
    return %c0_i32, %c0_i32_0 : i32, i32
  }
  func.func @transform_5(%arg0: i32) -> (i32, i32) {
    %c0_i32 = arith.constant 0 : i32
    %c0_i32_0 = arith.constant 0 : i32
    %c0_i32_1 = arith.constant 0 : i32
    return %c0_i32, %c0_i32_0 : i32, i32
  }
  func.func @transform_6(%arg0: i32) -> (i32, i32) {
    %c0_i32 = arith.constant 0 : i32
    %c0_i32_0 = arith.constant 0 : i32
    %c0_i32_1 = arith.constant 0 : i32
    return %c0_i32, %c0_i32_0 : i32, i32
  }
  func.func @transform_7(%arg0: i32) -> (i32, i32) {
    %c0_i32 = arith.constant 0 : i32
    %c0_i32_0 = arith.constant 0 : i32
    %c0_i32_1 = arith.constant 0 : i32
    return %c0_i32, %c0_i32_0 : i32, i32
  }
  func.func @transform_8(%arg0: i32) -> (i32, i32) {
    %c0_i32 = arith.constant 0 : i32
    %c0_i32_0 = arith.constant 0 : i32
    %c0_i32_1 = arith.constant 0 : i32
    return %c0_i32, %c0_i32_0 : i32, i32
  }
  func.func @transform_9(%arg0: i32) -> (i32, i32) {
    %c0_i32 = arith.constant 0 : i32
    %c0_i32_0 = arith.constant 0 : i32
    %c0_i32_1 = arith.constant 0 : i32
    return %c0_i32, %c0_i32_0 : i32, i32
  }
  func.func @transform_10(%arg0: i32) -> (i32, i32) {
    %c0_i32 = arith.constant 0 : i32
    %c0_i32_0 = arith.constant 0 : i32
    %c0_i32_1 = arith.constant 0 : i32
    return %c0_i32, %c0_i32_0 : i32, i32
  }
  func.func @transform_11(%arg0: i32) -> (i32, i32) {
    %c0_i32 = arith.constant 0 : i32
    %c0_i32_0 = arith.constant 0 : i32
    %c0_i32_1 = arith.constant 0 : i32
    return %c0_i32, %c0_i32_0 : i32, i32
  }
  func.func @transform_12(%arg0: i32) -> (i32, i32) {
    %c0_i32 = arith.constant 0 : i32
    %c0_i32_0 = arith.constant 0 : i32
    return %arg0, %c0_i32 : i32, i32
  }
}

</mosaic_0001>

<sc_bundles>
// kernel: kernel.5.cloned.1.call-start
scs
__scs_entry_jumppad:
0x0: {  	(pc) =	sbr.rel $0x88, $3  }
0x1: {  	(tag) =	ssettag $0x0;
	lr =	simm.s32 $0x1  }
0x2: {  	[smem:$0x3F94] =	sst lr;
	_ =	strace $0xD0000000  }
0x3: {  	_ = 	snop  }
0x4: {  	_ = 	snop  }
0x5: {  	_ = 	snop  }
0x6: {  	_ = 	snop  }
0x7: {  	_ = 	snop  }
__scs_overlays_trampoline_lowered:
0x8: {  	[smem:$0x3FA3] =	sst s0  }
0x9: {  	[smem:$0x3FA4] =	sst s1  }
0xa: {  	[smem:$0x3FA5] =	sst s2  }
0xb: {  	[smem:$0x3FA6] =	sst s3  }
0xc: {  	[smem:$0x3FA7] =	sst s4  }
0xd: {  	[smem:$0x3FA8] =	sst s5  }
0xe: {  	[smem:$0x3FA9] =	sst s6  }
0xf: {  	[smem:$0x3FAA] =	sst s7  }
0x10: {  	[smem:$0x3FAB] =	sst s8  }
0x11: {  	[smem:$0x3FAC] =	sst s9;
	s0 =	simm.s32 @!p0 $0x0  }
0x12: {  	s1 =	sld [smem:$0x3F92];
	s0 =	simm.s32 @p0 $0x1  }
0x13: {  	[smem:$0x3FAD] =	sst s0;
	s0 =	simm.s32 @!p1 $0x0  }
0x14: {  	s2 =	sld [smem:$0x3F91];
	s0 =	simm.s32 @p1 $0x1  }
0x15: {  	[smem:$0x3FAE] =	sst s0;
	s0 =	simm.s32 @!p2 $0x0  }
0x16: {  	s3 =	sld [smem:$0x3FDB];
	s0 =	simm.s32 @p2 $0x1  }
0x17: {  	s4 =	simm.s32 $0x1BF5;
	[smem:$0x3FB0] =	sst s0  }
0x18: {  	s0 =	sld [smem:$0x3F93];
	_ =	swait.ge [sflag:s4], $0x0  }
0x19: {  	s7 =	sld [smem:$0x3F94]  }
0x1a: {  	s8 =	sadd.s32 $0xFFFFE003, lr  }
0x1b: {  	s9 =	sadd.s32 $0xFFFFFEF7, lr;
	s5 =	simm.s32 $0xFFFFFFFF;
	p2 =	slt.u32 s8, $0xFFFFF086  }
0x1c: {  	p1 =	slt.u32 s9, $0xF7A;
	s5 =	simm.s32 @!p2 $0x0  }
0x1d: {  	s5 =	simm.s32 @p1 $0x1;
	p0 =	seq.s32 s7, s2  }
0x1e: {  	s7 =	smul.u32 @!p0 $0xF7A, s2;
	p2 =	seq.s32 @!p0 s5, $0x0  }
0x1f: {  	s9 =	smul.u32 $0xF7A, s1;
	s8 =	simm.s32 @!p0 $0x1BF5;
	p2 =	por !p2, p0  }
0x20: {  	[sflag:s8] =	ssyncset.s32 @!p0 $0xFFFFF086;
	s6 =	sadd.s32 @!p0 s3, s7;
	s7 =	simm.s32 @!p0 $0x108  }
0x21: {  	s3 =	sadd.s32 s3, s9;
	s6 =	sadd.s32 @!p0 $0x88, s6;
	s7 =	simm.s32 @p2 $0x1082  }
0x22: {  	[simem:s7], [sflag:s8] =	dma.local @!p0 [hbm:s6], $0xF7A  }
0x23: {  	s9 =	sor.u32 $0xD0000000, s2;
	s6 =	simm.s32 $0x108;
	_ =	swait.ge @!p0 [sflag:s8], $0x0  }
0x24: {  	s3 =	sadd.s32 $0x88, s3;
	s6 =	simm.s32 @!p1 $0x1082;
	[sflag:s4] =	ssyncset.s32 $0xFFFFF086  }
0x25: {  	[simem:s6], [sflag:s4] =	dma.local [hbm:s3], $0xF7A  }
0x26: {  	[smem:$0x3F94] =	sst s1;
	(tag) =	ssettag s2;
	_ =	strace s9  }
0x27: {  	s1 =	sld [smem:$0x3FA4]  }
0x28: {  	s2 =	sld [smem:$0x3FA5]  }
0x29: {  	s4 =	sld [smem:$0x3FA7]  }
0x2a: {  	p0 =	seq.s32 s5, $0x0;
	s5 =	sld [smem:$0x3FA8]  }
0x2b: {  	s6 =	sld [smem:$0x3FA9]  }
0x2c: {  	s7 =	sld [smem:$0x3FAA]  }
0x2d: {  	s3 =	simm.s32 $0x108;
	s8 =	sld [smem:$0x3FAB]  }
0x2e: {  	s3 =	simm.s32 @!p0 $0x1082;
	s9 =	sld [smem:$0x3FAC]  }
0x2f: {  	lr =	sadd.s32 s0, s3;
	s0 =	sld [smem:$0x3FA3]  }
0x30: {  	s3 =	sld [smem:$0x3FA6]  }
0x31: {  	[smem:$0x3FAF] =	sst s10  }
0x32: {  	s10 =	sld [smem:$0x3FAD];
	_ =	sdelay $0x3  }
0x33: {  	p0 =	seq.s32 s10, $0x1;
	s10 =	sld [smem:$0x3FAF];
	_ =	sdelay $0x3  }
0x34: {  	[smem:$0x3FAF] =	sst s10  }
0x35: {  	s10 =	sld [smem:$0x3FAE];
	_ =	sdelay $0x3  }
0x36: {  	p1 =	seq.s32 s10, $0x1;
	s10 =	sld [smem:$0x3FAF];
	_ =	sdelay $0x3  }
0x37: {  	[smem:$0x3FAF] =	sst s10  }
0x38: {  	s10 =	sld [smem:$0x3FB0]  }
0x39: {  	_ = 	snop;
	(pc) =	sbr.ind lr, $3  }
0x3a: {  	_ = 	snop  }
0x3b: {  	_ = 	snop  }
0x3c: {  	p2 =	seq.s32 s10, $0x1;
	s10 =	sld [smem:$0x3FAF]  }
0x3d: {  	_ =	shalt  }
0x3e: {  	_ =	shalt  }
0x3f: {  	_ =	shalt  }
0x40: {  	_ =	shalt  }
0x41: {  	_ =	shalt  }
0x42: {  	_ =	shalt  }
0x43: {  	_ =	shalt  }
0x44: {  	_ =	shalt  }
0x45: {  	_ =	shalt  }
0x46: {  	_ =	shalt  }
0x47: {  	_ =	shalt  }
0x48: {  	_ =	shalt  }
0x49: {  	_ =	shalt  }
0x4a: {  	_ =	shalt  }
0x4b: {  	_ =	shalt  }
0x4c: {  	_ =	shalt  }
0x4d: {  	_ =	shalt  }
0x4e: {  	_ =	shalt  }
0x4f: {  	_ =	shalt  }
0x50: {  	_ =	shalt  }
0x51: {  	_ =	shalt  }
0x52: {  	_ =	shalt  }
0x53: {  	_ =	shalt  }
0x54: {  	_ =	shalt  }
0x55: {  	_ =	shalt  }
0x56: {  	_ =	shalt  }
0x57: {  	_ =	shalt  }
0x58: {  	_ =	shalt  }
0x59: {  	_ =	shalt  }
0x5a: {  	_ =	shalt  }
0x5b: {  	_ =	shalt  }
0x5c: {  	_ =	shalt  }
0x5d: {  	_ =	shalt  }
0x5e: {  	_ =	shalt  }
0x5f: {  	_ =	shalt  }
0x60: {  	_ =	shalt  }
0x61: {  	_ =	shalt  }
0x62: {  	_ =	shalt  }
0x63: {  	_ =	shalt  }
0x64: {  	_ =	shalt  }
0x65: {  	_ =	shalt  }
0x66: {  	_ =	shalt  }
0x67: {  	_ =	shalt  }
0x68: {  	_ =	shalt  }
0x69: {  	_ =	shalt  }
0x6a: {  	_ =	shalt  }
0x6b: {  	_ =	shalt  }
0x6c: {  	_ =	shalt  }
0x6d: {  	_ =	shalt  }
0x6e: {  	_ =	shalt  }
0x6f: {  	_ =	shalt  }
0x70: {  	_ =	shalt  }
0x71: {  	_ =	shalt  }
0x72: {  	_ =	shalt  }
0x73: {  	_ =	shalt  }
0x74: {  	_ =	shalt  }
0x75: {  	_ =	shalt  }
0x76: {  	_ =	shalt  }
0x77: {  	_ =	shalt  }
0x78: {  	_ =	shalt  }
0x79: {  	_ =	shalt  }
0x7a: {  	_ =	shalt  }
0x7b: {  	_ =	shalt  }
0x7c: {  	_ =	shalt  }
0x7d: {  	_ =	shalt  }
0x7e: {  	_ =	shalt  }
0x7f: {  	_ =	shalt  }
0x80: {  	_ =	shalt  }
0x81: {  	_ =	shalt  }
0x82: {  	_ =	shalt  }
0x83: {  	_ =	shalt  }
0x84: {  	_ =	shalt  }
0x85: {  	_ =	shalt  }
0x86: {  	_ =	shalt  }
0x87: {  	_ =	shalt  }
.Lfunc_end0:
.L_simem_size_0:
called_computation_lowered:
.L_overlay_start_0:
0x88: {  	s2 =	sld [smem:$0x3FD9]  }
0x89: {  	s3 =	sld [smem:$0x3FFE];
	_ =	sdelay $0x1  }
0x8a: {  	s1 =	srdreg.scid  }
0x8b: {  	s0 =	sand.u32 $0x1, s1  }
0x8c: {  	s17 =	sshll.u32 s0, $0xA;
	s2 =	sadd.s32 s3, s2  }
0x8d: {  	s2 =	sadd.s32 s2, s17  }
0x8e: {  	[smem:$0x3FBB] =	sst s2  }
0x8f: {  	_ = 	snop  }
0x90: {  	s2 =	sld [smem:$0x3FD0];
	(tm) =	ssettm $0x1  }
0x91: {  	s18 =	sld [smem:$0x3FFB];
	_ =	sdelay $0x3  }
0x92: {  	_ =	strace s18  }
0x93: {  	s3 =	sld [smem:$0x3FFC];
	_ =	sdelay $0x3  }
0x94: {  	_ =	strace s3  }
0x95: {  	s3 =	sld [smem:$0x3FFD];
	_ =	sdelay $0x3  }
0x96: {  	_ =	strace s3  }
0x97: {  	_ =	strace $0x8FFFFFFF  }
0x98: {  	s19 =	sld [smem:$0x3FDB];
	_ =	sdelay $0x1  }
0x99: {  	s4 =	simm.s32 $_scs_section_size  }
0x9a: {  	s5 =	simm.s32 $_size__tile_overlayer_lowered;
	s6 =	simm.s32 $_tile_overlayer_lowered  }
0x9b: {  	s22 =	simm.s32 $0x1BFF;
	s21 =	sshll.u32 s6, $0x1;
	s3 =	sadd.s32 s4, s19  }
0x9c: {  	s7 =	simm.s32 $0x0;
	s20 =	sshll.u32 s5, $0x1;
	s5 =	sadd.s32 s21, s3  }
0x9d: {  	[timem:s7], [sflag:s22] =	dma.local [hbm:s5], s20  }
0x9e: {  	_ =	swait.ge [sflag:s22], s20  }
0x9f: {  	s4 =	ssub.s32 $0x0, s20;
	[sflag:s22] =	ssyncset.done $0x0  }
0xa0: {  	[sflag:s22] =	ssyncadd.s32 s4;
	_ =	sdelay $0x1  }
0xa1: {  	s23 =	simm.s32 $0x1B8B  }
0xa2: {  	_ =	swait.ge [sflag:s23], $0x1  }
0xa3: {  	[sflag:s23] =	ssyncset.done $0x0  }
0xa4: {  	s25 =	simm.s32 $0x1B8E;
	s24 =	sld [smem:$0x3FFE];
	[sflag:s23] =	ssyncadd.s32 $0xFFFFFFFF  }
0xa5: {  	s26 =	simm.s32 $execute0_lowered;
	[smem:$0x3FD2] =	sst s25  }
0xa6: {  	s5 =	sshll.u32 s26, $0x1;
	_ =	strace $0x80000046;
	[dreg:$0x1] =	wrdreg $0xFFFFFFFF  }
0xa7: {  	s28 =	simm.s32 $_size_execute0_lowered;
	s3 =	sadd.s32 s3, s5;
	[dreg:$0x0] =	wrdreg $0x0  }
0xa8: {  	s5 =	sshll.u32 s28, $0x1;
	[dreg:$0x2] =	wrdreg s3  }
0xa9: {  	[dreg:$0x3] =	wrdreg s5  }
0xaa: {  	[dreg:$0x4] =	wrdreg $0xC0  }
0xab: {  	_ =	task [dreg:s7], $0x5FFFF  }
0xac: {  	[dreg:$0x1] =	wrdreg $0xFFFFFFFF  }
0xad: {  	[dreg:$0x0] =	wrdreg $0x60  }
0xae: {  	[dreg:$0x2] =	wrdreg s24  }
0xaf: {  	[dreg:$0x3] =	wrdreg s2  }
0xb0: {  	[dreg:$0x4] =	wrdreg $0x9  }
0xb1: {  	_ =	task.clear_ibuf [dreg:s7], $0x5FFFF;
	_ =	strace $0x90000046  }
0xb2: {  	s29 =	simm.s32 $0x9;
	_ =	strace $0x80000048  }
0xb3: {  	_ =	swait.ge [sflag:s29], $0x1  }
0xb4: {  	[sflag:s29] =	ssyncadd.s32 $0xFFFFFFFF  }
0xb5: {  	_ =	strace $0x90000048  }
0xb6: {  	_ =	sfence  }
0xb7: {  	s30 =	sld [smem:$0x0];
	_ =	sdelay $0x2  }
0xb8: {  	s31 =	sshll.u32 s1, $0xD;
	s1 =	sshrl.u32 s1, $0x2  }
0xb9: {  	s3 =	sand.u32 $0x4000, s31;
	s1 =	sadd.s32 s1, s30  }
0xba: {  	s0 =	sor.u32 s3, s0;
	s1 =	sshll.u32 s1, $0x11  }
0xbb: {  	s0 =	sor.u32 s1, s0  }
0xbc: {  	s0 =	sadd.s32 $0x8F2B, s0  }
0xbd: {  	[sflag:s0] =	ssyncadd.remote.s32 $0x1  }
0xbe: {  	_ =	sfence.sel $0xFFFF  }
0xbf: {  	[dreg:$0x0] =	wrdreg $0xFFFFFFFF;
	(pc) =	sbr.abs _section_cstart, $3  }
0xc0: {  	[dreg:$0x1] =	wrdreg $0xFFFFFFFF  }
0xc1: {  	_ =	task.clear_ibuf [dreg:s7], $0x2FFFF;
	_ =	strace $0x9FFFFFFF  }
0xc2: {  	(tm) =	ssettm $0x7FFFFFFF  }
0xc3: {  	_ =	shalt  }
tec
execute0_lowered:
.L_overlay_start_1:
0x0: {  	(tag) =	ssettag $0x1  }
0x1: {  	s1 =	srdreg.scid;
	s4 =	rddreg [dreg:$0x0]  }
0x2: {  	s0 =	stileid.u32;
	s6 =	rddreg [dreg:$0x1]  }
0x3: {  	s2 =	simm.s32 $0x0;
	s11 =	simm.s32 $0x8400;
	s12 =	simm.s32 $0x1  }
0x4: {  	s13 =	simm.s32 $0xC400;
	s14 =	simm.s32 $0xC410;
	s15 =	simm.s32 $0xC420  }
0x5: {  	s16 =	simm.s32 $0xC430;
	s17 =	simm.s32 $0xC440;
	s18 =	simm.s32 $0xC450  }
0x6: {  	s19 =	simm.s32 $0xC460;
	s20 =	simm.s32 $0xC470;
	s21 =	simm.s32 $0x2  }
0x7: {  	s22 =	simm.s32 $0xA400;
	s5 =	sand.u32 $0x1, s1;
	s1 =	rddreg [dreg:$0x2]  }
0x8: {  	s23 =	simm.s32 $0x0;
	s30 =	sshll.u32 s0, $0x1;
	[smem:$0x7FF] =	sst s2  }
0x9: {  	s7 =	sor.u32 s5, s30;
	_ =	strace $0x80000047;
	s5 =	ssub.s32 $0x2, s5  }
0xa: {  	s3 =	smul.u32 $0xC80, s7;
	s9 =	sshll.u32 s7, $0x4;
	s31 =	sshrl.u32 s5, $0x1  }
0xb: {  	s7 =	sshll.u32 s7, $0xA;
	s9 =	sadd.s32 s9, s4;
	s10 =	ssub.s32 s5, s31  }
0xc: {  	s5 =	sadd.s32 s6, s7;
	s8 =	sadd.s32 s3, s4;
	s3 =	sadd.s32 $0xF44400, s4  }
0xd: {  	s6 =	sadd.s32 $0x1AE00, s9;
	s7 =	smax.u32 s10, $0x1;
	s9 =	simm.s32 $0x80  }
0xe: {  	v0 =	vimm.f32 $0.0e+00;
	s10 =	simm.s32 $0x6400;
	s4 =	sadd.s32 $0x1E00, s8;
	s8 =	simm.s32 $0x3  }
.LBB2_1:
0xf: {  	[tilespmem:s2], [sflag:$0x3] =	stream.linear.gather [hbm4b:s4+s2], $0x6400, $0x38;
	[tilespmem:$0xC480] =	vst v63  }
0x10: {  	_ =	swait.ge [sflag:s8], $0x6400  }
0x11: {  	[sflag:s8] =	ssyncset.done $0x0  }
0x12: {  	s25 =	simm.s32 $0x100;
	s24 =	simm.s32 $0x0;
	[sflag:s8] =	ssyncadd.s32 $0xFFFF9C00  }
.LBB2_2:
0x13: {  	p0 =	sne.s32 s25, $0x7F00;
	[tilespmem:s24+$0xA430] =	vst v0;
	s26 =	smov.u32 s25;
	s25 =	sadd.s32 $0x100, s25  }
.Ltmp0:
0x14: {  	[tilespmem:s24+$0xA420] =	vst v0;
	(pc) =	sbr.rel @p0 .LBB2_2-.Ltmp0, $3  }
0x15: {  	[tilespmem:s24+$0xA400] =	vst v0  }
0x16: {  	[tilespmem:s24+$0xA410] =	vst v0;
	_ =	sdelay $0x1  }
0x17: {  	s24 =	sshra.s32 s26, $0x2  }
0x18: {  	[tilespmem:s24+$0xA430] =	vst v0  }
0x19: {  	[tilespmem:s24+$0xA420] =	vst v0  }
0x1a: {  	[tilespmem:s24+$0xA400] =	vst v0  }
0x1b: {  	[tilespmem:s24+$0xA410] =	vst v0  }
0x1c: {  	[tilespmem:$0xC400] =	vst v0  }
0x1d: {  	[tilespmem:$0xC410] =	vst v0  }
0x1e: {  	[tilespmem:$0xC420] =	vst v0  }
0x1f: {  	[tilespmem:$0xC430] =	vst v0  }
0x20: {  	[tilespmem:$0xC440] =	vst v0  }
0x21: {  	[tilespmem:$0xC450] =	vst v0  }
0x22: {  	[tilespmem:$0xC460] =	vst v0  }
0x23: {  	s24 =	simm.s32 $0x0;
	[tilespmem:$0xC470] =	vst v0  }
0x24: {  	[tilespmem:s10], [sflag:$0x1] =	stream.indirect.gather [hbm4b:s3+s9], $0x40, s24, s9, $0xb8;
	[tilespmem:$0xC480] =	vst v63  }
.LBB2_4:
0x25: {  	s25 =	sshll.u32 s24, $0x8  }
0x26: {  	s25 =	sand.u32 $0x3FFFFF00, s25  }
0x27: {  	s26 =	sor.u32 $0x80, s25  }
0x28: {  	[tilespmem:s11], [sflag:$0x2] =	stream.indirect.gather [hbm4b:s3+s9], $0x40, s26, s9, $0xb8;
	[tilespmem:$0xC480] =	vst v63  }
0x29: {  	_ =	swait.ge [sflag:s12], $0x2000  }
0x2a: {  	[sflag:s12] =	ssyncset.done $0x0  }
0x2b: {  	s26 =	simm.s32 $0x0;
	[sflag:s12] =	ssyncadd.s32 $0xFFFFE000  }
0x2c: {  	v1 =	vld [tilespmem:s26+$0x64F0]  }
0x2d: {  	v2 =	vld [tilespmem:s26+$0x6400]  }
0x2e: {  	v3 =	vld [tilespmem:s26+$0x6410]  }
0x2f: {  	v4 =	vld [tilespmem:s26+$0x6420]  }
0x30: {  	v5 =	vld [tilespmem:s26+$0x6430]  }
0x31: {  	v6 =	vld [tilespmem:s26+$0x6440]  }
0x32: {  	v7 =	vld [tilespmem:s26+$0x6450]  }
0x33: {  	v8 =	vld [tilespmem:s26+$0x6460]  }
0x34: {  	v9 =	vld [tilespmem:s26+$0x6470]  }
0x35: {  	v10 =	vld [tilespmem:s26+$0x6480]  }
0x36: {  	v11 =	vld [tilespmem:s26+$0x6490]  }
0x37: {  	v12 =	vld [tilespmem:s26+$0x64A0]  }
0x38: {  	v13 =	vld [tilespmem:s26+$0x64B0]  }
0x39: {  	v14 =	vld [tilespmem:s26+$0x64C0]  }
0x3a: {  	v15 =	vld [tilespmem:s26+$0x64D0]  }
0x3b: {  	[tilespmem:s26+$0xA4F0] =	vst.add.f32.msk $0xffff, v1  }
0x3c: {  	v1 =	vld [tilespmem:s26+$0x64E0]  }
0x3d: {  	[tilespmem:s26+$0xA400] =	vst.add.f32.msk $0xffff, v2  }
0x3e: {  	[tilespmem:s26+$0xA410] =	vst.add.f32.msk $0xffff, v3  }
0x3f: {  	[tilespmem:s26+$0xA420] =	vst.add.f32.msk $0xffff, v4  }
0x40: {  	[tilespmem:s26+$0xA430] =	vst.add.f32.msk $0xffff, v5  }
0x41: {  	[tilespmem:s26+$0xA440] =	vst.add.f32.msk $0xffff, v6  }
0x42: {  	[tilespmem:s26+$0xA450] =	vst.add.f32.msk $0xffff, v7  }
0x43: {  	[tilespmem:s26+$0xA460] =	vst.add.f32.msk $0xffff, v8  }
0x44: {  	[tilespmem:s26+$0xA470] =	vst.add.f32.msk $0xffff, v9  }
0x45: {  	[tilespmem:s26+$0xA480] =	vst.add.f32.msk $0xffff, v10  }
0x46: {  	[tilespmem:s26+$0xA490] =	vst.add.f32.msk $0xffff, v11  }
0x47: {  	[tilespmem:s26+$0xA4A0] =	vst.add.f32.msk $0xffff, v12  }
0x48: {  	[tilespmem:s26+$0xA4B0] =	vst.add.f32.msk $0xffff, v13  }
0x49: {  	[tilespmem:s26+$0xA4C0] =	vst.add.f32.msk $0xffff, v14  }
0x4a: {  	s28 =	simm.s32 $0x0;
	s29 =	simm.s32 $0x400;
	[tilespmem:s26+$0xA4D0] =	vst.add.f32.msk $0xffff, v15  }
.LBB2_5:
0x4b: {  	s28 =	sadd.s32 $0x4, s28;
	[tilespmem:s26+$0xA4E0] =	vst.add.f32.msk $0xffff, v1;
	s26 =	sshra.s32 s29, $0x2  }
0x4c: {  	v1 =	vld [tilespmem:s26+$0x64F0];
	p0 =	slt.u32 s28, $0x7C  }
0x4d: {  	v2 =	vld [tilespmem:s26+$0x6400]  }
0x4e: {  	v3 =	vld [tilespmem:s26+$0x6410]  }
0x4f: {  	v4 =	vld [tilespmem:s26+$0x6420]  }
0x50: {  	v5 =	vld [tilespmem:s26+$0x6430]  }
0x51: {  	[tilespmem:s26+$0xA4F0] =	vst.add.f32.msk $0xffff, v1  }
0x52: {  	v6 =	vld [tilespmem:s26+$0x6440]  }
0x53: {  	v7 =	vld [tilespmem:s26+$0x6450]  }
0x54: {  	v8 =	vld [tilespmem:s26+$0x6460]  }
0x55: {  	v9 =	vld [tilespmem:s26+$0x6470]  }
0x56: {  	v10 =	vld [tilespmem:s26+$0x6480]  }
0x57: {  	v11 =	vld [tilespmem:s26+$0x6490]  }
0x58: {  	v12 =	vld [tilespmem:s26+$0x64A0]  }
0x59: {  	v13 =	vld [tilespmem:s26+$0x64B0]  }
0x5a: {  	v14 =	vld [tilespmem:s26+$0x64C0]  }
0x5b: {  	v15 =	vld [tilespmem:s26+$0x64D0]  }
0x5c: {  	v1 =	vld [tilespmem:s26+$0x64E0]  }
0x5d: {  	[tilespmem:s26+$0xA400] =	vst.add.f32.msk $0xffff, v2  }
0x5e: {  	[tilespmem:s26+$0xA410] =	vst.add.f32.msk $0xffff, v3  }
0x5f: {  	[tilespmem:s26+$0xA420] =	vst.add.f32.msk $0xffff, v4  }
0x60: {  	[tilespmem:s26+$0xA430] =	vst.add.f32.msk $0xffff, v5  }
0x61: {  	[tilespmem:s26+$0xA440] =	vst.add.f32.msk $0xffff, v6  }
0x62: {  	[tilespmem:s26+$0xA450] =	vst.add.f32.msk $0xffff, v7  }
0x63: {  	[tilespmem:s26+$0xA460] =	vst.add.f32.msk $0xffff, v8  }
0x64: {  	[tilespmem:s26+$0xA470] =	vst.add.f32.msk $0xffff, v9  }
0x65: {  	[tilespmem:s26+$0xA480] =	vst.add.f32.msk $0xffff, v10  }
.Ltmp1:
0x66: {  	[tilespmem:s26+$0xA490] =	vst.add.f32.msk $0xffff, v11;
	(pc) =	sbr.rel @p0 .LBB2_5-.Ltmp1, $4  }
0x67: {  	[tilespmem:s26+$0xA4A0] =	vst.add.f32.msk $0xffff, v12  }
0x68: {  	[tilespmem:s26+$0xA4B0] =	vst.add.f32.msk $0xffff, v13  }
0x69: {  	[tilespmem:s26+$0xA4C0] =	vst.add.f32.msk $0xffff, v14  }
0x6a: {  	s29 =	sadd.s32 $0x400, s29;
	[tilespmem:s26+$0xA4D0] =	vst.add.f32.msk $0xffff, v15  }
0x6b: {  	[tilespmem:s26+$0xA4E0] =	vst.add.f32.msk $0xffff, v1  }
0x6c: {  	v1 =	vld [tilespmem:s25+$0x0];
	_ =	sdelay $0x4  }
0x6d: {  	vm0 =	vgt.s32 v1, $0x0  }
0x6e: {  	v1 =	vsel vm0, $0x3F800000, v0  }
0x6f: {  	[tilespmem:s13+$0x0] =	vst.add.f32.msk $0xffff, v1  }
0x70: {  	v1 =	vld [tilespmem:s25+$0x10];
	_ =	sdelay $0x4  }
0x71: {  	vm9 =	vgt.s32 v1, $0x0  }
0x72: {  	v1 =	vsel vm9, $0x3F800000, v0  }
0x73: {  	[tilespmem:s14+$0x0] =	vst.add.f32.msk $0xffff, v1  }
0x74: {  	v1 =	vld [tilespmem:s25+$0x20];
	_ =	sdelay $0x4  }
0x75: {  	vm10 =	vgt.s32 v1, $0x0  }
0x76: {  	v1 =	vsel vm10, $0x3F800000, v0  }
0x77: {  	[tilespmem:s15+$0x0] =	vst.add.f32.msk $0xffff, v1  }
0x78: {  	v1 =	vld [tilespmem:s25+$0x30];
	_ =	sdelay $0x4  }
0x79: {  	vm11 =	vgt.s32 v1, $0x0  }
0x7a: {  	v1 =	vsel vm11, $0x3F800000, v0  }
0x7b: {  	[tilespmem:s16+$0x0] =	vst.add.f32.msk $0xffff, v1  }
0x7c: {  	v1 =	vld [tilespmem:s25+$0x40];
	_ =	sdelay $0x4  }
0x7d: {  	vm12 =	vgt.s32 v1, $0x0  }
0x7e: {  	v1 =	vsel vm12, $0x3F800000, v0  }
0x7f: {  	[tilespmem:s17+$0x0] =	vst.add.f32.msk $0xffff, v1  }
0x80: {  	v1 =	vld [tilespmem:s25+$0x50];
	_ =	sdelay $0x4  }
0x81: {  	vm13 =	vgt.s32 v1, $0x0  }
0x82: {  	v1 =	vsel vm13, $0x3F800000, v0  }
0x83: {  	[tilespmem:s18+$0x0] =	vst.add.f32.msk $0xffff, v1  }
0x84: {  	v1 =	vld [tilespmem:s25+$0x60];
	_ =	sdelay $0x4  }
0x85: {  	vm14 =	vgt.s32 v1, $0x0  }
0x86: {  	v1 =	vsel vm14, $0x3F800000, v0  }
0x87: {  	[tilespmem:s19+$0x0] =	vst.add.f32.msk $0xffff, v1  }
0x88: {  	v1 =	vld [tilespmem:s25+$0x70];
	_ =	sdelay $0x4  }
0x89: {  	vm15 =	vgt.s32 v1, $0x0  }
0x8a: {  	p0 =	seq.s32 s24, $0x63;
	v1 =	vsel vm15, $0x3F800000, v0  }
0x8b: {  	s26 =	sadd.s32 @!p0 $0x100, s25;
	s28 =	simm.s32 @!p0 $0x80;
	s29 =	simm.s32 @!p0 $0x6400;
	[tilespmem:s20+$0x0] =	vst.add.f32.msk $0xffff, v1  }
0x8c: {  	[tilespmem:s29], [sflag:$0x1] =	stream.indirect.gather @!p0 [hbm4b:s3+s28], $0x40, s26, s28, $0xb8;
	[tilespmem:$0xC480] =	vst v63  }
0x8d: {  	_ =	swait.ge [sflag:s21], $0x2000  }
0x8e: {  	[sflag:s21] =	ssyncset.done $0x0  }
0x8f: {  	s26 =	simm.s32 $0x0;
	[sflag:s21] =	ssyncadd.s32 $0xFFFFE000  }
0x90: {  	v1 =	vld [tilespmem:s26+$0x84F0]  }
0x91: {  	v2 =	vld [tilespmem:s26+$0x8400]  }
0x92: {  	v3 =	vld [tilespmem:s26+$0x8410]  }
0x93: {  	v4 =	vld [tilespmem:s26+$0x8420]  }
0x94: {  	v5 =	vld [tilespmem:s26+$0x8430]  }
0x95: {  	v6 =	vld [tilespmem:s26+$0x8440]  }
0x96: {  	v7 =	vld [tilespmem:s26+$0x8450]  }
0x97: {  	v8 =	vld [tilespmem:s26+$0x8460]  }
0x98: {  	v9 =	vld [tilespmem:s26+$0x8470]  }
0x99: {  	v10 =	vld [tilespmem:s26+$0x8480]  }
0x9a: {  	v11 =	vld [tilespmem:s26+$0x8490]  }
0x9b: {  	v12 =	vld [tilespmem:s26+$0x84A0]  }
0x9c: {  	v13 =	vld [tilespmem:s26+$0x84B0]  }
0x9d: {  	v14 =	vld [tilespmem:s26+$0x84C0]  }
0x9e: {  	v15 =	vld [tilespmem:s26+$0x84D0]  }
0x9f: {  	[tilespmem:s26+$0xA4F0] =	vst.add.f32.msk $0xffff, v1  }
0xa0: {  	v1 =	vld [tilespmem:s26+$0x84E0]  }
0xa1: {  	[tilespmem:s26+$0xA400] =	vst.add.f32.msk $0xffff, v2  }
0xa2: {  	[tilespmem:s26+$0xA410] =	vst.add.f32.msk $0xffff, v3  }
0xa3: {  	[tilespmem:s26+$0xA420] =	vst.add.f32.msk $0xffff, v4  }
0xa4: {  	[tilespmem:s26+$0xA430] =	vst.add.f32.msk $0xffff, v5  }
0xa5: {  	[tilespmem:s26+$0xA440] =	vst.add.f32.msk $0xffff, v6  }
0xa6: {  	[tilespmem:s26+$0xA450] =	vst.add.f32.msk $0xffff, v7  }
0xa7: {  	[tilespmem:s26+$0xA460] =	vst.add.f32.msk $0xffff, v8  }
0xa8: {  	[tilespmem:s26+$0xA470] =	vst.add.f32.msk $0xffff, v9  }
0xa9: {  	[tilespmem:s26+$0xA480] =	vst.add.f32.msk $0xffff, v10  }
0xaa: {  	[tilespmem:s26+$0xA490] =	vst.add.f32.msk $0xffff, v11  }
0xab: {  	[tilespmem:s26+$0xA4A0] =	vst.add.f32.msk $0xffff, v12  }
0xac: {  	[tilespmem:s26+$0xA4B0] =	vst.add.f32.msk $0xffff, v13  }
0xad: {  	[tilespmem:s26+$0xA4C0] =	vst.add.f32.msk $0xffff, v14  }
0xae: {  	s28 =	simm.s32 $0x0;
	s29 =	simm.s32 $0x400;
	[tilespmem:s26+$0xA4D0] =	vst.add.f32.msk $0xffff, v15  }
.LBB2_7:
0xaf: {  	s28 =	sadd.s32 $0x4, s28;
	[tilespmem:s26+$0xA4E0] =	vst.add.f32.msk $0xffff, v1;
	s26 =	sshra.s32 s29, $0x2  }
0xb0: {  	v1 =	vld [tilespmem:s26+$0x84F0];
	p0 =	slt.u32 s28, $0x7C  }
0xb1: {  	v2 =	vld [tilespmem:s26+$0x8400]  }
0xb2: {  	v3 =	vld [tilespmem:s26+$0x8410]  }
0xb3: {  	v4 =	vld [tilespmem:s26+$0x8420]  }
0xb4: {  	v5 =	vld [tilespmem:s26+$0x8430]  }
0xb5: {  	[tilespmem:s26+$0xA4F0] =	vst.add.f32.msk $0xffff, v1  }
0xb6: {  	v6 =	vld [tilespmem:s26+$0x8440]  }
0xb7: {  	v7 =	vld [tilespmem:s26+$0x8450]  }
0xb8: {  	v8 =	vld [tilespmem:s26+$0x8460]  }
0xb9: {  	v9 =	vld [tilespmem:s26+$0x8470]  }
0xba: {  	v10 =	vld [tilespmem:s26+$0x8480]  }
0xbb: {  	v11 =	vld [tilespmem:s26+$0x8490]  }
0xbc: {  	v12 =	vld [tilespmem:s26+$0x84A0]  }
0xbd: {  	v13 =	vld [tilespmem:s26+$0x84B0]  }
0xbe: {  	v14 =	vld [tilespmem:s26+$0x84C0]  }
0xbf: {  	v15 =	vld [tilespmem:s26+$0x84D0]  }
0xc0: {  	v1 =	vld [tilespmem:s26+$0x84E0]  }
0xc1: {  	[tilespmem:s26+$0xA400] =	vst.add.f32.msk $0xffff, v2  }
0xc2: {  	[tilespmem:s26+$0xA410] =	vst.add.f32.msk $0xffff, v3  }
0xc3: {  	[tilespmem:s26+$0xA420] =	vst.add.f32.msk $0xffff, v4  }
0xc4: {  	[tilespmem:s26+$0xA430] =	vst.add.f32.msk $0xffff, v5  }
0xc5: {  	[tilespmem:s26+$0xA440] =	vst.add.f32.msk $0xffff, v6  }
0xc6: {  	[tilespmem:s26+$0xA450] =	vst.add.f32.msk $0xffff, v7  }
0xc7: {  	[tilespmem:s26+$0xA460] =	vst.add.f32.msk $0xffff, v8  }
0xc8: {  	[tilespmem:s26+$0xA470] =	vst.add.f32.msk $0xffff, v9  }
0xc9: {  	[tilespmem:s26+$0xA480] =	vst.add.f32.msk $0xffff, v10  }
.Ltmp2:
0xca: {  	[tilespmem:s26+$0xA490] =	vst.add.f32.msk $0xffff, v11;
	(pc) =	sbr.rel @p0 .LBB2_7-.Ltmp2, $4  }
0xcb: {  	[tilespmem:s26+$0xA4A0] =	vst.add.f32.msk $0xffff, v12  }
0xcc: {  	[tilespmem:s26+$0xA4B0] =	vst.add.f32.msk $0xffff, v13  }
0xcd: {  	[tilespmem:s26+$0xA4C0] =	vst.add.f32.msk $0xffff, v14  }
0xce: {  	s29 =	sadd.s32 $0x400, s29;
	[tilespmem:s26+$0xA4D0] =	vst.add.f32.msk $0xffff, v15  }
0xcf: {  	[tilespmem:s26+$0xA4E0] =	vst.add.f32.msk $0xffff, v1  }
0xd0: {  	v1 =	vld [tilespmem:s25+$0x80];
	_ =	sdelay $0x4  }
0xd1: {  	vm0 =	vgt.s32 v1, $0x0  }
0xd2: {  	v1 =	vsel vm0, $0x3F800000, v0  }
0xd3: {  	[tilespmem:s13+$0x0] =	vst.add.f32.msk $0xffff, v1  }
0xd4: {  	v1 =	vld [tilespmem:s25+$0x90];
	_ =	sdelay $0x4  }
0xd5: {  	vm9 =	vgt.s32 v1, $0x0  }
0xd6: {  	v1 =	vsel vm9, $0x3F800000, v0  }
0xd7: {  	[tilespmem:s14+$0x0] =	vst.add.f32.msk $0xffff, v1  }
0xd8: {  	v1 =	vld [tilespmem:s25+$0xA0];
	_ =	sdelay $0x4  }
0xd9: {  	vm10 =	vgt.s32 v1, $0x0  }
0xda: {  	v1 =	vsel vm10, $0x3F800000, v0  }
0xdb: {  	[tilespmem:s15+$0x0] =	vst.add.f32.msk $0xffff, v1  }
0xdc: {  	v1 =	vld [tilespmem:s25+$0xB0];
	_ =	sdelay $0x4  }
0xdd: {  	vm11 =	vgt.s32 v1, $0x0  }
0xde: {  	v1 =	vsel vm11, $0x3F800000, v0  }
0xdf: {  	[tilespmem:s16+$0x0] =	vst.add.f32.msk $0xffff, v1  }
0xe0: {  	v1 =	vld [tilespmem:s25+$0xC0];
	_ =	sdelay $0x4  }
0xe1: {  	vm12 =	vgt.s32 v1, $0x0  }
0xe2: {  	v1 =	vsel vm12, $0x3F800000, v0  }
0xe3: {  	[tilespmem:s17+$0x0] =	vst.add.f32.msk $0xffff, v1  }
0xe4: {  	v1 =	vld [tilespmem:s25+$0xD0];
	_ =	sdelay $0x4  }
0xe5: {  	vm13 =	vgt.s32 v1, $0x0  }
0xe6: {  	v1 =	vsel vm13, $0x3F800000, v0  }
0xe7: {  	[tilespmem:s18+$0x0] =	vst.add.f32.msk $0xffff, v1  }
0xe8: {  	v1 =	vld [tilespmem:s25+$0xE0];
	_ =	sdelay $0x4  }
0xe9: {  	vm14 =	vgt.s32 v1, $0x0  }
0xea: {  	v1 =	vsel vm14, $0x3F800000, v0  }
0xeb: {  	[tilespmem:s19+$0x0] =	vst.add.f32.msk $0xffff, v1  }
0xec: {  	v1 =	vld [tilespmem:s25+$0xF0]  }
0xed: {  	s24 =	sadd.s32 $0x1, s24  }
0xee: {  	p0 =	sne.s32 s24, $0x64  }
.Ltmp3:
0xef: {  	_ = 	snop;
	(pc) =	sbr.rel @p0 .LBB2_4-.Ltmp3, $4  }
0xf0: {  	_ = 	snop  }
0xf1: {  	vm15 =	vgt.s32 v1, $0x0  }
0xf2: {  	v1 =	vsel vm15, $0x3F800000, v0  }
0xf3: {  	[tilespmem:s20+$0x0] =	vst.add.f32.msk $0xffff, v1  }
0xf4: {  	[hbm4b:s5+s2] =	stream.linear.scatter [tilespmem:s22], [sflag:$0x3], $0x2000, $0x38;
	[tilespmem:$0xC480] =	vst v63  }
0xf5: {  	s23 =	sadd.s32 $0x1, s23;
	_ =	swait.ge [sflag:s8], $0x2000  }
0xf6: {  	p0 =	sne.s32 s23, s7;
	[sflag:s8] =	ssyncset.done $0x0  }
.Ltmp4:
0xf7: {  	[sflag:s8] =	ssyncadd.s32 $0xFFFFE000;
	(pc) =	sbr.rel @p0 .LBB2_1-.Ltmp4, $4  }
0xf8: {  	[hbm4b:s6+s2] =	stream.linear.scatter [tilespmem:s13], [sflag:$0x3], $0x80, $0x38;
	[tilespmem:$0xC480] =	vst v63  }
0xf9: {  	_ =	swait.ge [sflag:s8], $0x80  }
0xfa: {  	[sflag:s8] =	ssyncset.done $0x0  }
0xfb: {  	[sflag:s8] =	ssyncadd.s32 $0xFFFFFF80  }
0xfc: {  	_ =	sfence.sel $0x180000  }
0xfd: {  	[bflag:$0x0] =	sbarrier.arrive $0xFFFF  }
0xfe: {  	p0 =	sne.s32 s0, $0x0;
	_ =	strace $0x90000047  }
0xff: {  	s0 =	sadd.s32 @!p0 $0x100000, s1;
	[bflag:$0x2] =	sbarrier.arrive $0xFFFF  }
0x100: {  	[sflag:s0] =	ssyncadd.tile.s32 @!p0 $0x1;
	_ =	shalt  }
.Lfunc_end2:
_tile_overlayer_lowered:
.L_overlay_start_2:
0x101: {  	(tag) =	ssettag $0x2  }
0x102: {  	s0 =	rddreg [dreg:$0x0];
	s2 =	stileid.u32  }
0x103: {  	s1 =	rddreg [dreg:$0x1];
	p0 =	sne.s32 s2, $0x0  }
0x104: {  	s3 =	rddreg [dreg:$0x2];
	[bflag:$0x3] =	sbarrier.arrive $0xFFFF;
	s2 =	simm.s32 @!p0 $0x1C03  }
0x105: {  	[timem:s3], [sflag:s2] =	dma.local @!p0 [hbm:s0], s1  }
0x106: {  	s0 =	simm.s32 @!p0 $0x3  }
0x107: {  	_ =	swait.ge @!p0 [sflag:s0], s1  }
0x108: {  	s1 =	ssub.s32 @!p0 $0x0, s1;
	[sflag:s0] =	ssyncset.done @!p0 $0x0  }
0x109: {  	[sflag:s0] =	ssyncadd.s32 @!p0 s1  }
0x10a: {  	[bflag:$0x3] =	sbarrier.arrive $0xFFFF  }
0x10b: {  	_ =	shalt  }

</sc_bundles>
